<compile_context>
chip_gen: v7x
topology: tpu7x:2x2x1
jax: 0.10.2.dev20260603
libtpu: 0.0.44.dev20260713+nightly
codegen_flags: <defaults>
</compile_context>

<pallas_src>
import functools

import jax
import jax.numpy as jnp
from jax import lax
from jax.experimental import pallas as pl
from jax.experimental.pallas import tpu as pltpu
from jax.experimental.pallas import tpu_sc as plsc

BATCH = 4096
HIST = 200
DIM = 64
N = BATCH * HIST

NC = 2
NS = 16
NW = NC * NS
PER_W = N // NW

CHUNK = 800
NCHUNK = PER_W // CHUNK

assert PER_W * NW == N
assert NCHUNK * CHUNK == PER_W
assert NCHUNK % 2 == 0

_MESH = plsc.VectorSubcoreMesh(core_axis_name="c", subcore_axis_name="s")


@functools.partial(
    pl.kernel,
    mesh=_MESH,
    out_type=jax.ShapeDtypeStruct((BATCH, HIST, DIM), jnp.float32),
    compiler_params=pltpu.CompilerParams(use_tc_tiling_on_sc=False),
    scratch_types=[
        pltpu.VMEM((NCHUNK, CHUNK), jnp.int32),
        pltpu.VMEM((2, CHUNK, DIM), jnp.float32),
        pltpu.SemaphoreType.DMA,
        pltpu.SemaphoreType.DMA,
        pltpu.SemaphoreType.DMA,
        pltpu.SemaphoreType.DMA,
    ],
)
def _sc_gather(idx_hbm, table_hbm, out_hbm, idx_v, rows_v, g0, g1, o0, o1):
    wid = lax.axis_index("s") * NC + lax.axis_index("c")
    bpc = CHUNK // HIST
    base_b = wid * (PER_W // HIST)
    gsems = (g0, g1)
    osems = (o0, o1)

    pltpu.sync_copy(idx_hbm.at[pl.ds(wid * NCHUNK, NCHUNK)], idx_v)

    def fire(c, s):
        pltpu.async_copy(table_hbm.at[idx_v.at[c]], rows_v.at[s], gsems[s])

    def drain_gathers(s):
        pltpu.make_async_copy(
            table_hbm.at[pl.ds(0, CHUNK)], rows_v.at[s], gsems[s]
        ).wait()

    class _Store:
        def __init__(self, c, s):
            self.copies = [
                pltpu.make_async_copy(
                    rows_v.at[s, pl.ds(k * HIST, HIST)],
                    out_hbm.at[base_b + c * bpc + k],
                    osems[s],
                )
                for k in range(bpc)
            ]

        def start(self):
            for cp in self.copies:
                cp.start()

        def wait(self):
            for cp in self.copies:
                cp.wait()

    store = _Store

    fire(0, 0)
    fire(1, 1)
    drain_gathers(0)
    store(0, 0).start()

    def body(i, carry):
        c0 = 2 * i + 2
        for b in range(2):
            c = c0 + b
            store(c - 2, b).wait()
            fire(c, b)
            drain_gathers(1 - b)
            store(c - 1, 1 - b).start()
        return carry

    lax.fori_loop(0, (NCHUNK - 2) // 2, body, 0)

    drain_gathers((NCHUNK - 1) % 2)
    store(NCHUNK - 1, (NCHUNK - 1) % 2).start()
    store(NCHUNK - 2, (NCHUNK - 2) % 2).wait()
    store(NCHUNK - 1, (NCHUNK - 1) % 2).wait()


def kernel(x, table):
    idx = x.reshape(N // CHUNK, CHUNK).astype(jnp.int32)
    return _sc_gather(idx, table)

# --- scband reference (transcript-rebuilt; emitter-appended) ---
"""Pipeline reference for scband-gene-encoder-6390911336971 (READ-ONLY COPY).

The authoritative reference and input builder live on the scoring server;
editing this copy changes nothing except your own understanding.
"""

import jax, jax.numpy as jnp
import numpy as np

NUM_EMBEDDINGS = 1000000
EMBEDDING_DIM = 64
BATCH = 4096
HIST = 200


def setup_inputs(seed: int = 0) -> dict:
    key = jax.random.key(seed)
    k_idx, k_tab = jax.random.split(key)
    x = jax.random.randint(k_idx, (BATCH, HIST), 0, NUM_EMBEDDINGS, dtype=jnp.int64 if jax.config.jax_enable_x64 else jnp.int32)
    table = jax.random.normal(k_tab, (NUM_EMBEDDINGS, EMBEDDING_DIM), dtype=jnp.float32)
    return {"x": x, "table": table}


def reference(x, table):
    # GeneEncoder with no extra embeddings, use_norm=False:
    #   reps = [embedding(x)]; x = reps[0]; x = Identity()(x)
    out = jnp.take(table, x, axis=0)
    return out

if __name__ == "__main__":
    import jax
    _d = setup_inputs()
    print(jax.jit(kernel)(*tuple(_d.values())))

</pallas_src>

<mosaic_0001>
#map = affine_map<(d0, d1) -> (0, 0)>
#map1 = affine_map<(d0, d1) -> (0, 0, 0)>
module attributes {stable_mosaic.version = 14 : i64} {
  func.func @_sc_gather(%arg0: i32, %arg1: i32, %arg2: memref<1024x800xi32, #tpu.memory_space<hbm>>, %arg3: memref<1000000x64xf32, #tpu.memory_space<hbm>>, %arg4: memref<4096x200x64xf32, #tpu.memory_space<hbm>>, %arg5: memref<32x800xi32, #tpu.memory_space<vmem>>, %arg6: memref<2x800x64xf32, #tpu.memory_space<vmem>>, %arg7: memref<!tpu.dma_semaphore, #tpu.memory_space<semaphore_mem>>, %arg8: memref<!tpu.dma_semaphore, #tpu.memory_space<semaphore_mem>>, %arg9: memref<!tpu.dma_semaphore, #tpu.memory_space<semaphore_mem>>, %arg10: memref<!tpu.dma_semaphore, #tpu.memory_space<semaphore_mem>>) attributes {dimension_semantics = [#tpu.dimension_semantics<core_parallel>, #tpu.dimension_semantics<subcore_parallel>], iteration_bounds = array<i64: 2, 16>, scalar_prefetch = 0 : i64, scratch_operands = 6 : i64, tpu.core_type = #tpu.core_type<sc_vector_subcore>, window_params = [{transform_indices = #map}, {transform_indices = #map}, {transform_indices = #map1}]} {
    %mul3A = arith.constant 2 : i32
    %mul3A_0 = arith.muli %arg1, %mul3A : i32
    %add3A = arith.addi %mul3A_0, %arg0 : i32
    %mul3A_1 = arith.constant 128 : i32
    %mul3A_2 = arith.muli %add3A, %mul3A_1 : i32
    %mul3A_3 = arith.constant 32 : i32
    %mul3A_4 = arith.muli %add3A, %mul3A_3 : i32
    "tpu.region"() ({
      %run_scoped3A = tpu.sem_alloc : memref<!tpu.dma_semaphore, #tpu.memory_space<semaphore_mem>>
      %dma_start3A_398 = arith.constant 0 : i32
      %dma_start3A_399 = tpu.memref_slice %arg2[%mul3A_4, %dma_start3A_398] : memref<1024x800xi32, #tpu.memory_space<hbm>> -> memref<32x800xi32, #tpu.memory_space<hbm>>
      %dma_start3A_400 = arith.constant 0 : i32
      %dma_start3A_401 = tpu.memref_slice %arg2[%mul3A_4, %dma_start3A_400] : memref<1024x800xi32, #tpu.memory_space<hbm>> -> memref<32x800xi32, #tpu.memory_space<hbm>>
      tpu.enqueue_dma source(%dma_start3A_401 : memref<32x800xi32, #tpu.memory_space<hbm>>) target(%arg5 : memref<32x800xi32, #tpu.memory_space<vmem>>) target_semaphore(%run_scoped3A : memref<!tpu.dma_semaphore, #tpu.memory_space<semaphore_mem>>)
      %dma_wait3A_402 = arith.constant 0 : i32
      %dma_wait3A_403 = tpu.memref_slice %arg2[%mul3A_4, %dma_wait3A_402] : memref<1024x800xi32, #tpu.memory_space<hbm>> -> memref<32x800xi32, #tpu.memory_space<hbm>>
      %dma_wait3A_404 = arith.constant 0 : i32
      %dma_wait3A_405 = tpu.memref_slice %arg2[%mul3A_4, %dma_wait3A_404] : memref<1024x800xi32, #tpu.memory_space<hbm>> -> memref<32x800xi32, #tpu.memory_space<hbm>>
      tpu.wait_dma2 semaphore(%run_scoped3A : memref<!tpu.dma_semaphore, #tpu.memory_space<semaphore_mem>>) src(%dma_wait3A_405 : memref<32x800xi32, #tpu.memory_space<hbm>>) dst(%arg5 : memref<32x800xi32, #tpu.memory_space<vmem>>)
      tpu.yield
    }) : () -> ()
    %dma_start3A = arith.constant 0 : i32
    %dma_start3A_5 = arith.constant 0 : i32
    %dma_start3A_6 = arith.constant 0 : i32
    %dma_start3A_7 = arith.constant 0 : i32
    %dma_start3A_8 = tpu.memref_slice %arg6[%dma_start3A_5, %dma_start3A_6, %dma_start3A_7] : memref<2x800x64xf32, #tpu.memory_space<vmem>> -> memref<1x800x64xf32, #tpu.memory_space<vmem>>
    %dma_start3A_9 = tpu.memref_squeeze %dma_start3A_8 : memref<1x800x64xf32, #tpu.memory_space<vmem>> -> memref<800x64xf32, #tpu.memory_space<vmem>>
    %dma_start3A_10 = arith.constant 0 : i32
    %dma_start3A_11 = tpu.memref_slice %arg5[%dma_start3A, %dma_start3A_10] : memref<32x800xi32, #tpu.memory_space<vmem>> -> memref<1x800xi32, #tpu.memory_space<vmem>>
    %dma_start3A_12 = tpu.memref_squeeze %dma_start3A_11 : memref<1x800xi32, #tpu.memory_space<vmem>> -> memref<800xi32, #tpu.memory_space<vmem>>
    %dma_start3A_13 = arith.constant 0 : i32
    %dma_start3A_14 = arith.constant 0 : i32
    %dma_start3A_15 = tpu.memref_slice %arg3[%dma_start3A_13, %dma_start3A_14] : memref<1000000x64xf32, #tpu.memory_space<hbm>> -> memref<1000000x64xf32, #tpu.memory_space<hbm>>
    tpu.enqueue_indirect_dma source(%dma_start3A_15 : memref<1000000x64xf32, #tpu.memory_space<hbm>>) target(%dma_start3A_9 : memref<800x64xf32, #tpu.memory_space<vmem>>) offsets(%dma_start3A_12 : memref<800xi32, #tpu.memory_space<vmem>>) semaphore(%arg7 : memref<!tpu.dma_semaphore, #tpu.memory_space<semaphore_mem>>)
    %dma_start3A_16 = arith.constant 1 : i32
    %dma_start3A_17 = arith.constant 1 : i32
    %dma_start3A_18 = arith.constant 0 : i32
    %dma_start3A_19 = arith.constant 0 : i32
    %dma_start3A_20 = tpu.memref_slice %arg6[%dma_start3A_17, %dma_start3A_18, %dma_start3A_19] : memref<2x800x64xf32, #tpu.memory_space<vmem>> -> memref<1x800x64xf32, #tpu.memory_space<vmem>>
    %dma_start3A_21 = tpu.memref_squeeze %dma_start3A_20 : memref<1x800x64xf32, #tpu.memory_space<vmem>> -> memref<800x64xf32, #tpu.memory_space<vmem>>
    %dma_start3A_22 = arith.constant 0 : i32
    %dma_start3A_23 = tpu.memref_slice %arg5[%dma_start3A_16, %dma_start3A_22] : memref<32x800xi32, #tpu.memory_space<vmem>> -> memref<1x800xi32, #tpu.memory_space<vmem>>
    %dma_start3A_24 = tpu.memref_squeeze %dma_start3A_23 : memref<1x800xi32, #tpu.memory_space<vmem>> -> memref<800xi32, #tpu.memory_space<vmem>>
    %dma_start3A_25 = arith.constant 0 : i32
    %dma_start3A_26 = arith.constant 0 : i32
    %dma_start3A_27 = tpu.memref_slice %arg3[%dma_start3A_25, %dma_start3A_26] : memref<1000000x64xf32, #tpu.memory_space<hbm>> -> memref<1000000x64xf32, #tpu.memory_space<hbm>>
    tpu.enqueue_indirect_dma source(%dma_start3A_27 : memref<1000000x64xf32, #tpu.memory_space<hbm>>) target(%dma_start3A_21 : memref<800x64xf32, #tpu.memory_space<vmem>>) offsets(%dma_start3A_24 : memref<800xi32, #tpu.memory_space<vmem>>) semaphore(%arg8 : memref<!tpu.dma_semaphore, #tpu.memory_space<semaphore_mem>>)
    %dma_wait3A = arith.constant 0 : i32
    %dma_wait3A_28 = arith.constant 0 : i32
    %dma_wait3A_29 = arith.constant 0 : i32
    %dma_wait3A_30 = tpu.memref_slice %arg6[%dma_wait3A, %dma_wait3A_28, %dma_wait3A_29] : memref<2x800x64xf32, #tpu.memory_space<vmem>> -> memref<1x800x64xf32, #tpu.memory_space<vmem>>
    %dma_wait3A_31 = tpu.memref_squeeze %dma_wait3A_30 : memref<1x800x64xf32, #tpu.memory_space<vmem>> -> memref<800x64xf32, #tpu.memory_space<vmem>>
    %dma_wait3A_32 = arith.constant 0 : i32
    %dma_wait3A_33 = arith.constant 0 : i32
    %dma_wait3A_34 = tpu.memref_slice %arg3[%dma_wait3A_32, %dma_wait3A_33] : memref<1000000x64xf32, #tpu.memory_space<hbm>> -> memref<800x64xf32, #tpu.memory_space<hbm>>
    %dma_wait3A_35 = arith.constant 0 : i32
    %dma_wait3A_36 = arith.constant 0 : i32
    %dma_wait3A_37 = tpu.memref_slice %arg6[%dma_wait3A, %dma_wait3A_35, %dma_wait3A_36] : memref<2x800x64xf32, #tpu.memory_space<vmem>> -> memref<1x800x64xf32, #tpu.memory_space<vmem>>
    %dma_wait3A_38 = tpu.memref_squeeze %dma_wait3A_37 : memref<1x800x64xf32, #tpu.memory_space<vmem>> -> memref<800x64xf32, #tpu.memory_space<vmem>>
    %dma_wait3A_39 = arith.constant 0 : i32
    %dma_wait3A_40 = arith.constant 0 : i32
    %dma_wait3A_41 = tpu.memref_slice %arg3[%dma_wait3A_39, %dma_wait3A_40] : memref<1000000x64xf32, #tpu.memory_space<hbm>> -> memref<800x64xf32, #tpu.memory_space<hbm>>
    tpu.wait_dma2 semaphore(%arg7 : memref<!tpu.dma_semaphore, #tpu.memory_space<semaphore_mem>>) src(%dma_wait3A_41 : memref<800x64xf32, #tpu.memory_space<hbm>>) dst(%dma_wait3A_38 : memref<800x64xf32, #tpu.memory_space<vmem>>)
    %add3A_42 = arith.constant 0 : i32
    %add3A_43 = arith.addi %mul3A_2, %add3A_42 : i32
    %add3A_44 = arith.constant 0 : i32
    %add3A_45 = arith.addi %add3A_43, %add3A_44 : i32
    %add3A_46 = arith.constant 0 : i32
    %add3A_47 = arith.addi %mul3A_2, %add3A_46 : i32
    %add3A_48 = arith.constant 1 : i32
    %add3A_49 = arith.addi %add3A_47, %add3A_48 : i32
    %add3A_50 = arith.constant 0 : i32
    %add3A_51 = arith.addi %mul3A_2, %add3A_50 : i32
    %add3A_52 = arith.constant 2 : i32
    %add3A_53 = arith.addi %add3A_51, %add3A_52 : i32
    %add3A_54 = arith.constant 0 : i32
    %add3A_55 = arith.addi %mul3A_2, %add3A_54 : i32
    %add3A_56 = arith.constant 3 : i32
    %add3A_57 = arith.addi %add3A_55, %add3A_56 : i32
    %dma_start3A_58 = arith.constant 0 : i32
    %dma_start3A_59 = arith.constant 0 : i32
    %dma_start3A_60 = arith.constant 0 : i32
    %dma_start3A_61 = tpu.memref_slice %arg6[%dma_start3A_58, %dma_start3A_59, %dma_start3A_60] : memref<2x800x64xf32, #tpu.memory_space<vmem>> -> memref<1x200x64xf32, #tpu.memory_space<vmem>>
    %dma_start3A_62 = tpu.memref_squeeze %dma_start3A_61 : memref<1x200x64xf32, #tpu.memory_space<vmem>> -> memref<200x64xf32, #tpu.memory_space<vmem>>
    %dma_start3A_63 = arith.constant 0 : i32
    %dma_start3A_64 = arith.constant 0 : i32
    %dma_start3A_65 = tpu.memref_slice %arg4[%add3A_45, %dma_start3A_63, %dma_start3A_64] : memref<4096x200x64xf32, #tpu.memory_space<hbm>> -> memref<1x200x64xf32, #tpu.memory_space<hbm>>
    %dma_start3A_66 = tpu.memref_squeeze %dma_start3A_65 : memref<1x200x64xf32, #tpu.memory_space<hbm>> -> memref<200x64xf32, #tpu.memory_space<hbm>>
    %dma_start3A_67 = arith.constant 0 : i32
    %dma_start3A_68 = arith.constant 0 : i32
    %dma_start3A_69 = tpu.memref_slice %arg4[%add3A_45, %dma_start3A_67, %dma_start3A_68] : memref<4096x200x64xf32, #tpu.memory_space<hbm>> -> memref<1x200x64xf32, #tpu.memory_space<hbm>>
    %dma_start3A_70 = tpu.memref_squeeze %dma_start3A_69 : memref<1x200x64xf32, #tpu.memory_space<hbm>> -> memref<200x64xf32, #tpu.memory_space<hbm>>
    %dma_start3A_71 = arith.constant 0 : i32
    %dma_start3A_72 = arith.constant 0 : i32
    %dma_start3A_73 = tpu.memref_slice %arg6[%dma_start3A_58, %dma_start3A_71, %dma_start3A_72] : memref<2x800x64xf32, #tpu.memory_space<vmem>> -> memref<1x200x64xf32, #tpu.memory_space<vmem>>
    %dma_start3A_74 = tpu.memref_squeeze %dma_start3A_73 : memref<1x200x64xf32, #tpu.memory_space<vmem>> -> memref<200x64xf32, #tpu.memory_space<vmem>>
    tpu.enqueue_dma source(%dma_start3A_74 : memref<200x64xf32, #tpu.memory_space<vmem>>) target(%dma_start3A_70 : memref<200x64xf32, #tpu.memory_space<hbm>>) target_semaphore(%arg9 : memref<!tpu.dma_semaphore, #tpu.memory_space<semaphore_mem>>)
    %dma_start3A_75 = arith.constant 0 : i32
    %dma_start3A_76 = arith.constant 200 : i32
    %dma_start3A_77 = arith.constant 0 : i32
    %dma_start3A_78 = tpu.memref_slice %arg6[%dma_start3A_75, %dma_start3A_76, %dma_start3A_77] : memref<2x800x64xf32, #tpu.memory_space<vmem>> -> memref<1x200x64xf32, #tpu.memory_space<vmem>>
    %dma_start3A_79 = tpu.memref_squeeze %dma_start3A_78 : memref<1x200x64xf32, #tpu.memory_space<vmem>> -> memref<200x64xf32, #tpu.memory_space<vmem>>
    %dma_start3A_80 = arith.constant 0 : i32
    %dma_start3A_81 = arith.constant 0 : i32
    %dma_start3A_82 = tpu.memref_slice %arg4[%add3A_49, %dma_start3A_80, %dma_start3A_81] : memref<4096x200x64xf32, #tpu.memory_space<hbm>> -> memref<1x200x64xf32, #tpu.memory_space<hbm>>
    %dma_start3A_83 = tpu.memref_squeeze %dma_start3A_82 : memref<1x200x64xf32, #tpu.memory_space<hbm>> -> memref<200x64xf32, #tpu.memory_space<hbm>>
    %dma_start3A_84 = arith.constant 0 : i32
    %dma_start3A_85 = arith.constant 0 : i32
    %dma_start3A_86 = tpu.memref_slice %arg4[%add3A_49, %dma_start3A_84, %dma_start3A_85] : memref<4096x200x64xf32, #tpu.memory_space<hbm>> -> memref<1x200x64xf32, #tpu.memory_space<hbm>>
    %dma_start3A_87 = tpu.memref_squeeze %dma_start3A_86 : memref<1x200x64xf32, #tpu.memory_space<hbm>> -> memref<200x64xf32, #tpu.memory_space<hbm>>
    %dma_start3A_88 = arith.constant 200 : i32
    %dma_start3A_89 = arith.constant 0 : i32
    %dma_start3A_90 = tpu.memref_slice %arg6[%dma_start3A_75, %dma_start3A_88, %dma_start3A_89] : memref<2x800x64xf32, #tpu.memory_space<vmem>> -> memref<1x200x64xf32, #tpu.memory_space<vmem>>
    %dma_start3A_91 = tpu.memref_squeeze %dma_start3A_90 : memref<1x200x64xf32, #tpu.memory_space<vmem>> -> memref<200x64xf32, #tpu.memory_space<vmem>>
    tpu.enqueue_dma source(%dma_start3A_91 : memref<200x64xf32, #tpu.memory_space<vmem>>) target(%dma_start3A_87 : memref<200x64xf32, #tpu.memory_space<hbm>>) target_semaphore(%arg9 : memref<!tpu.dma_semaphore, #tpu.memory_space<semaphore_mem>>)
    %dma_start3A_92 = arith.constant 0 : i32
    %dma_start3A_93 = arith.constant 400 : i32
    %dma_start3A_94 = arith.constant 0 : i32
    %dma_start3A_95 = tpu.memref_slice %arg6[%dma_start3A_92, %dma_start3A_93, %dma_start3A_94] : memref<2x800x64xf32, #tpu.memory_space<vmem>> -> memref<1x200x64xf32, #tpu.memory_space<vmem>>
    %dma_start3A_96 = tpu.memref_squeeze %dma_start3A_95 : memref<1x200x64xf32, #tpu.memory_space<vmem>> -> memref<200x64xf32, #tpu.memory_space<vmem>>
    %dma_start3A_97 = arith.constant 0 : i32
    %dma_start3A_98 = arith.constant 0 : i32
    %dma_start3A_99 = tpu.memref_slice %arg4[%add3A_53, %dma_start3A_97, %dma_start3A_98] : memref<4096x200x64xf32, #tpu.memory_space<hbm>> -> memref<1x200x64xf32, #tpu.memory_space<hbm>>
    %dma_start3A_100 = tpu.memref_squeeze %dma_start3A_99 : memref<1x200x64xf32, #tpu.memory_space<hbm>> -> memref<200x64xf32, #tpu.memory_space<hbm>>
    %dma_start3A_101 = arith.constant 0 : i32
    %dma_start3A_102 = arith.constant 0 : i32
    %dma_start3A_103 = tpu.memref_slice %arg4[%add3A_53, %dma_start3A_101, %dma_start3A_102] : memref<4096x200x64xf32, #tpu.memory_space<hbm>> -> memref<1x200x64xf32, #tpu.memory_space<hbm>>
    %dma_start3A_104 = tpu.memref_squeeze %dma_start3A_103 : memref<1x200x64xf32, #tpu.memory_space<hbm>> -> memref<200x64xf32, #tpu.memory_space<hbm>>
    %dma_start3A_105 = arith.constant 400 : i32
    %dma_start3A_106 = arith.constant 0 : i32
    %dma_start3A_107 = tpu.memref_slice %arg6[%dma_start3A_92, %dma_start3A_105, %dma_start3A_106] : memref<2x800x64xf32, #tpu.memory_space<vmem>> -> memref<1x200x64xf32, #tpu.memory_space<vmem>>
    %dma_start3A_108 = tpu.memref_squeeze %dma_start3A_107 : memref<1x200x64xf32, #tpu.memory_space<vmem>> -> memref<200x64xf32, #tpu.memory_space<vmem>>
    tpu.enqueue_dma source(%dma_start3A_108 : memref<200x64xf32, #tpu.memory_space<vmem>>) target(%dma_start3A_104 : memref<200x64xf32, #tpu.memory_space<hbm>>) target_semaphore(%arg9 : memref<!tpu.dma_semaphore, #tpu.memory_space<semaphore_mem>>)
    %dma_start3A_109 = arith.constant 0 : i32
    %dma_start3A_110 = arith.constant 600 : i32
    %dma_start3A_111 = arith.constant 0 : i32
    %dma_start3A_112 = tpu.memref_slice %arg6[%dma_start3A_109, %dma_start3A_110, %dma_start3A_111] : memref<2x800x64xf32, #tpu.memory_space<vmem>> -> memref<1x200x64xf32, #tpu.memory_space<vmem>>
    %dma_start3A_113 = tpu.memref_squeeze %dma_start3A_112 : memref<1x200x64xf32, #tpu.memory_space<vmem>> -> memref<200x64xf32, #tpu.memory_space<vmem>>
    %dma_start3A_114 = arith.constant 0 : i32
    %dma_start3A_115 = arith.constant 0 : i32
    %dma_start3A_116 = tpu.memref_slice %arg4[%add3A_57, %dma_start3A_114, %dma_start3A_115] : memref<4096x200x64xf32, #tpu.memory_space<hbm>> -> memref<1x200x64xf32, #tpu.memory_space<hbm>>
    %dma_start3A_117 = tpu.memref_squeeze %dma_start3A_116 : memref<1x200x64xf32, #tpu.memory_space<hbm>> -> memref<200x64xf32, #tpu.memory_space<hbm>>
    %dma_start3A_118 = arith.constant 0 : i32
    %dma_start3A_119 = arith.constant 0 : i32
    %dma_start3A_120 = tpu.memref_slice %arg4[%add3A_57, %dma_start3A_118, %dma_start3A_119] : memref<4096x200x64xf32, #tpu.memory_space<hbm>> -> memref<1x200x64xf32, #tpu.memory_space<hbm>>
    %dma_start3A_121 = tpu.memref_squeeze %dma_start3A_120 : memref<1x200x64xf32, #tpu.memory_space<hbm>> -> memref<200x64xf32, #tpu.memory_space<hbm>>
    %dma_start3A_122 = arith.constant 600 : i32
    %dma_start3A_123 = arith.constant 0 : i32
    %dma_start3A_124 = tpu.memref_slice %arg6[%dma_start3A_109, %dma_start3A_122, %dma_start3A_123] : memref<2x800x64xf32, #tpu.memory_space<vmem>> -> memref<1x200x64xf32, #tpu.memory_space<vmem>>
    %dma_start3A_125 = tpu.memref_squeeze %dma_start3A_124 : memref<1x200x64xf32, #tpu.memory_space<vmem>> -> memref<200x64xf32, #tpu.memory_space<vmem>>
    tpu.enqueue_dma source(%dma_start3A_125 : memref<200x64xf32, #tpu.memory_space<vmem>>) target(%dma_start3A_121 : memref<200x64xf32, #tpu.memory_space<hbm>>) target_semaphore(%arg9 : memref<!tpu.dma_semaphore, #tpu.memory_space<semaphore_mem>>)
    %scan3A = arith.constant 0 : i32
    %scan3A_126 = arith.constant 0 : i32
    %scan3A_127 = arith.constant 15 : i32
    %scan3A_128 = arith.addi %scan3A_126, %scan3A_127 : i32
    %scan3A_129 = arith.constant 1 : i32
    scf.for %scan3A_398 = %scan3A_126 to %scan3A_128 step %scan3A_129  : i32 {
      %mul3A_399 = arith.constant 2 : i32
      %mul3A_400 = arith.muli %mul3A_399, %scan3A_398 : i32
      %add3A_401 = arith.constant 2 : i32
      %add3A_402 = arith.addi %mul3A_400, %add3A_401 : i32
      %add3A_403 = arith.constant 0 : i32
      %add3A_404 = arith.addi %add3A_402, %add3A_403 : i32
      %sub3A = arith.constant 2 : i32
      %sub3A_405 = arith.subi %add3A_404, %sub3A : i32
      %mul3A_406 = arith.constant 4 : i32
      %mul3A_407 = arith.muli %sub3A_405, %mul3A_406 : i32
      %add3A_408 = arith.addi %mul3A_2, %mul3A_407 : i32
      %add3A_409 = arith.constant 0 : i32
      %add3A_410 = arith.addi %add3A_408, %add3A_409 : i32
      %mul3A_411 = arith.constant 4 : i32
      %mul3A_412 = arith.muli %sub3A_405, %mul3A_411 : i32
      %add3A_413 = arith.addi %mul3A_2, %mul3A_412 : i32
      %add3A_414 = arith.constant 1 : i32
      %add3A_415 = arith.addi %add3A_413, %add3A_414 : i32
      %mul3A_416 = arith.constant 4 : i32
      %mul3A_417 = arith.muli %sub3A_405, %mul3A_416 : i32
      %add3A_418 = arith.addi %mul3A_2, %mul3A_417 : i32
      %add3A_419 = arith.constant 2 : i32
      %add3A_420 = arith.addi %add3A_418, %add3A_419 : i32
      %mul3A_421 = arith.constant 4 : i32
      %mul3A_422 = arith.muli %sub3A_405, %mul3A_421 : i32
      %add3A_423 = arith.addi %mul3A_2, %mul3A_422 : i32
      %add3A_424 = arith.constant 3 : i32
      %add3A_425 = arith.addi %add3A_423, %add3A_424 : i32
      %dma_wait3A_426 = arith.constant 0 : i32
      %dma_wait3A_427 = arith.constant 0 : i32
      %dma_wait3A_428 = arith.constant 0 : i32
      %dma_wait3A_429 = tpu.memref_slice %arg6[%dma_wait3A_426, %dma_wait3A_427, %dma_wait3A_428] : memref<2x800x64xf32, #tpu.memory_space<vmem>> -> memref<1x200x64xf32, #tpu.memory_space<vmem>>
      %dma_wait3A_430 = tpu.memref_squeeze %dma_wait3A_429 : memref<1x200x64xf32, #tpu.memory_space<vmem>> -> memref<200x64xf32, #tpu.memory_space<vmem>>
      %dma_wait3A_431 = arith.constant 0 : i32
      %dma_wait3A_432 = arith.constant 0 : i32
      %dma_wait3A_433 = tpu.memref_slice %arg4[%add3A_410, %dma_wait3A_431, %dma_wait3A_432] : memref<4096x200x64xf32, #tpu.memory_space<hbm>> -> memref<1x200x64xf32, #tpu.memory_space<hbm>>
      %dma_wait3A_434 = tpu.memref_squeeze %dma_wait3A_433 : memref<1x200x64xf32, #tpu.memory_space<hbm>> -> memref<200x64xf32, #tpu.memory_space<hbm>>
      %dma_wait3A_435 = arith.constant 0 : i32
      %dma_wait3A_436 = arith.constant 0 : i32
      %dma_wait3A_437 = tpu.memref_slice %arg4[%add3A_410, %dma_wait3A_435, %dma_wait3A_436] : memref<4096x200x64xf32, #tpu.memory_space<hbm>> -> memref<1x200x64xf32, #tpu.memory_space<hbm>>
      %dma_wait3A_438 = tpu.memref_squeeze %dma_wait3A_437 : memref<1x200x64xf32, #tpu.memory_space<hbm>> -> memref<200x64xf32, #tpu.memory_space<hbm>>
      %dma_wait3A_439 = arith.constant 0 : i32
      %dma_wait3A_440 = arith.constant 0 : i32
      %dma_wait3A_441 = tpu.memref_slice %arg6[%dma_wait3A_426, %dma_wait3A_439, %dma_wait3A_440] : memref<2x800x64xf32, #tpu.memory_space<vmem>> -> memref<1x200x64xf32, #tpu.memory_space<vmem>>
      %dma_wait3A_442 = tpu.memref_squeeze %dma_wait3A_441 : memref<1x200x64xf32, #tpu.memory_space<vmem>> -> memref<200x64xf32, #tpu.memory_space<vmem>>
      tpu.wait_dma2 semaphore(%arg9 : memref<!tpu.dma_semaphore, #tpu.memory_space<semaphore_mem>>) src(%dma_wait3A_442 : memref<200x64xf32, #tpu.memory_space<vmem>>) dst(%dma_wait3A_438 : memref<200x64xf32, #tpu.memory_space<hbm>>)
      %dma_wait3A_443 = arith.constant 0 : i32
      %dma_wait3A_444 = arith.constant 200 : i32
      %dma_wait3A_445 = arith.constant 0 : i32
      %dma_wait3A_446 = tpu.memref_slice %arg6[%dma_wait3A_443, %dma_wait3A_444, %dma_wait3A_445] : memref<2x800x64xf32, #tpu.memory_space<vmem>> -> memref<1x200x64xf32, #tpu.memory_space<vmem>>
      %dma_wait3A_447 = tpu.memref_squeeze %dma_wait3A_446 : memref<1x200x64xf32, #tpu.memory_space<vmem>> -> memref<200x64xf32, #tpu.memory_space<vmem>>
      %dma_wait3A_448 = arith.constant 0 : i32
      %dma_wait3A_449 = arith.constant 0 : i32
      %dma_wait3A_450 = tpu.memref_slice %arg4[%add3A_415, %dma_wait3A_448, %dma_wait3A_449] : memref<4096x200x64xf32, #tpu.memory_space<hbm>> -> memref<1x200x64xf32, #tpu.memory_space<hbm>>
      %dma_wait3A_451 = tpu.memref_squeeze %dma_wait3A_450 : memref<1x200x64xf32, #tpu.memory_space<hbm>> -> memref<200x64xf32, #tpu.memory_space<hbm>>
      %dma_wait3A_452 = arith.constant 0 : i32
      %dma_wait3A_453 = arith.constant 0 : i32
      %dma_wait3A_454 = tpu.memref_slice %arg4[%add3A_415, %dma_wait3A_452, %dma_wait3A_453] : memref<4096x200x64xf32, #tpu.memory_space<hbm>> -> memref<1x200x64xf32, #tpu.memory_space<hbm>>
      %dma_wait3A_455 = tpu.memref_squeeze %dma_wait3A_454 : memref<1x200x64xf32, #tpu.memory_space<hbm>> -> memref<200x64xf32, #tpu.memory_space<hbm>>
      %dma_wait3A_456 = arith.constant 200 : i32
      %dma_wait3A_457 = arith.constant 0 : i32
      %dma_wait3A_458 = tpu.memref_slice %arg6[%dma_wait3A_443, %dma_wait3A_456, %dma_wait3A_457] : memref<2x800x64xf32, #tpu.memory_space<vmem>> -> memref<1x200x64xf32, #tpu.memory_space<vmem>>
      %dma_wait3A_459 = tpu.memref_squeeze %dma_wait3A_458 : memref<1x200x64xf32, #tpu.memory_space<vmem>> -> memref<200x64xf32, #tpu.memory_space<vmem>>
      tpu.wait_dma2 semaphore(%arg9 : memref<!tpu.dma_semaphore, #tpu.memory_space<semaphore_mem>>) src(%dma_wait3A_459 : memref<200x64xf32, #tpu.memory_space<vmem>>) dst(%dma_wait3A_455 : memref<200x64xf32, #tpu.memory_space<hbm>>)
      %dma_wait3A_460 = arith.constant 0 : i32
      %dma_wait3A_461 = arith.constant 400 : i32
      %dma_wait3A_462 = arith.constant 0 : i32
      %dma_wait3A_463 = tpu.memref_slice %arg6[%dma_wait3A_460, %dma_wait3A_461, %dma_wait3A_462] : memref<2x800x64xf32, #tpu.memory_space<vmem>> -> memref<1x200x64xf32, #tpu.memory_space<vmem>>
      %dma_wait3A_464 = tpu.memref_squeeze %dma_wait3A_463 : memref<1x200x64xf32, #tpu.memory_space<vmem>> -> memref<200x64xf32, #tpu.memory_space<vmem>>
      %dma_wait3A_465 = arith.constant 0 : i32
      %dma_wait3A_466 = arith.constant 0 : i32
      %dma_wait3A_467 = tpu.memref_slice %arg4[%add3A_420, %dma_wait3A_465, %dma_wait3A_466] : memref<4096x200x64xf32, #tpu.memory_space<hbm>> -> memref<1x200x64xf32, #tpu.memory_space<hbm>>
      %dma_wait3A_468 = tpu.memref_squeeze %dma_wait3A_467 : memref<1x200x64xf32, #tpu.memory_space<hbm>> -> memref<200x64xf32, #tpu.memory_space<hbm>>
      %dma_wait3A_469 = arith.constant 0 : i32
      %dma_wait3A_470 = arith.constant 0 : i32
      %dma_wait3A_471 = tpu.memref_slice %arg4[%add3A_420, %dma_wait3A_469, %dma_wait3A_470] : memref<4096x200x64xf32, #tpu.memory_space<hbm>> -> memref<1x200x64xf32, #tpu.memory_space<hbm>>
      %dma_wait3A_472 = tpu.memref_squeeze %dma_wait3A_471 : memref<1x200x64xf32, #tpu.memory_space<hbm>> -> memref<200x64xf32, #tpu.memory_space<hbm>>
      %dma_wait3A_473 = arith.constant 400 : i32
      %dma_wait3A_474 = arith.constant 0 : i32
      %dma_wait3A_475 = tpu.memref_slice %arg6[%dma_wait3A_460, %dma_wait3A_473, %dma_wait3A_474] : memref<2x800x64xf32, #tpu.memory_space<vmem>> -> memref<1x200x64xf32, #tpu.memory_space<vmem>>
      %dma_wait3A_476 = tpu.memref_squeeze %dma_wait3A_475 : memref<1x200x64xf32, #tpu.memory_space<vmem>> -> memref<200x64xf32, #tpu.memory_space<vmem>>
      tpu.wait_dma2 semaphore(%arg9 : memref<!tpu.dma_semaphore, #tpu.memory_space<semaphore_mem>>) src(%dma_wait3A_476 : memref<200x64xf32, #tpu.memory_space<vmem>>) dst(%dma_wait3A_472 : memref<200x64xf32, #tpu.memory_space<hbm>>)
      %dma_wait3A_477 = arith.constant 0 : i32
      %dma_wait3A_478 = arith.constant 600 : i32
      %dma_wait3A_479 = arith.constant 0 : i32
      %dma_wait3A_480 = tpu.memref_slice %arg6[%dma_wait3A_477, %dma_wait3A_478, %dma_wait3A_479] : memref<2x800x64xf32, #tpu.memory_space<vmem>> -> memref<1x200x64xf32, #tpu.memory_space<vmem>>
      %dma_wait3A_481 = tpu.memref_squeeze %dma_wait3A_480 : memref<1x200x64xf32, #tpu.memory_space<vmem>> -> memref<200x64xf32, #tpu.memory_space<vmem>>
      %dma_wait3A_482 = arith.constant 0 : i32
      %dma_wait3A_483 = arith.constant 0 : i32
      %dma_wait3A_484 = tpu.memref_slice %arg4[%add3A_425, %dma_wait3A_482, %dma_wait3A_483] : memref<4096x200x64xf32, #tpu.memory_space<hbm>> -> memref<1x200x64xf32, #tpu.memory_space<hbm>>
      %dma_wait3A_485 = tpu.memref_squeeze %dma_wait3A_484 : memref<1x200x64xf32, #tpu.memory_space<hbm>> -> memref<200x64xf32, #tpu.memory_space<hbm>>
      %dma_wait3A_486 = arith.constant 0 : i32
      %dma_wait3A_487 = arith.constant 0 : i32
      %dma_wait3A_488 = tpu.memref_slice %arg4[%add3A_425, %dma_wait3A_486, %dma_wait3A_487] : memref<4096x200x64xf32, #tpu.memory_space<hbm>> -> memref<1x200x64xf32, #tpu.memory_space<hbm>>
      %dma_wait3A_489 = tpu.memref_squeeze %dma_wait3A_488 : memref<1x200x64xf32, #tpu.memory_space<hbm>> -> memref<200x64xf32, #tpu.memory_space<hbm>>
      %dma_wait3A_490 = arith.constant 600 : i32
      %dma_wait3A_491 = arith.constant 0 : i32
      %dma_wait3A_492 = tpu.memref_slice %arg6[%dma_wait3A_477, %dma_wait3A_490, %dma_wait3A_491] : memref<2x800x64xf32, #tpu.memory_space<vmem>> -> memref<1x200x64xf32, #tpu.memory_space<vmem>>
      %dma_wait3A_493 = tpu.memref_squeeze %dma_wait3A_492 : memref<1x200x64xf32, #tpu.memory_space<vmem>> -> memref<200x64xf32, #tpu.memory_space<vmem>>
      tpu.wait_dma2 semaphore(%arg9 : memref<!tpu.dma_semaphore, #tpu.memory_space<semaphore_mem>>) src(%dma_wait3A_493 : memref<200x64xf32, #tpu.memory_space<vmem>>) dst(%dma_wait3A_489 : memref<200x64xf32, #tpu.memory_space<hbm>>)
      %dma_start3A_494 = arith.constant 0 : i32
      %dma_start3A_495 = arith.constant 0 : i32
      %dma_start3A_496 = arith.constant 0 : i32
      %dma_start3A_497 = tpu.memref_slice %arg6[%dma_start3A_494, %dma_start3A_495, %dma_start3A_496] : memref<2x800x64xf32, #tpu.memory_space<vmem>> -> memref<1x800x64xf32, #tpu.memory_space<vmem>>
      %dma_start3A_498 = tpu.memref_squeeze %dma_start3A_497 : memref<1x800x64xf32, #tpu.memory_space<vmem>> -> memref<800x64xf32, #tpu.memory_space<vmem>>
      %dma_start3A_499 = arith.constant 0 : i32
      %dma_start3A_500 = tpu.memref_slice %arg5[%add3A_404, %dma_start3A_499] : memref<32x800xi32, #tpu.memory_space<vmem>> -> memref<1x800xi32, #tpu.memory_space<vmem>>
      %dma_start3A_501 = tpu.memref_squeeze %dma_start3A_500 : memref<1x800xi32, #tpu.memory_space<vmem>> -> memref<800xi32, #tpu.memory_space<vmem>>
      %dma_start3A_502 = arith.constant 0 : i32
      %dma_start3A_503 = arith.constant 0 : i32
      %dma_start3A_504 = tpu.memref_slice %arg3[%dma_start3A_502, %dma_start3A_503] : memref<1000000x64xf32, #tpu.memory_space<hbm>> -> memref<1000000x64xf32, #tpu.memory_space<hbm>>
      tpu.enqueue_indirect_dma source(%dma_start3A_504 : memref<1000000x64xf32, #tpu.memory_space<hbm>>) target(%dma_start3A_498 : memref<800x64xf32, #tpu.memory_space<vmem>>) offsets(%dma_start3A_501 : memref<800xi32, #tpu.memory_space<vmem>>) semaphore(%arg7 : memref<!tpu.dma_semaphore, #tpu.memory_space<semaphore_mem>>)
      %dma_wait3A_505 = arith.constant 1 : i32
      %dma_wait3A_506 = arith.constant 0 : i32
      %dma_wait3A_507 = arith.constant 0 : i32
      %dma_wait3A_508 = tpu.memref_slice %arg6[%dma_wait3A_505, %dma_wait3A_506, %dma_wait3A_507] : memref<2x800x64xf32, #tpu.memory_space<vmem>> -> memref<1x800x64xf32, #tpu.memory_space<vmem>>
      %dma_wait3A_509 = tpu.memref_squeeze %dma_wait3A_508 : memref<1x800x64xf32, #tpu.memory_space<vmem>> -> memref<800x64xf32, #tpu.memory_space<vmem>>
      %dma_wait3A_510 = arith.constant 0 : i32
      %dma_wait3A_511 = arith.constant 0 : i32
      %dma_wait3A_512 = tpu.memref_slice %arg3[%dma_wait3A_510, %dma_wait3A_511] : memref<1000000x64xf32, #tpu.memory_space<hbm>> -> memref<800x64xf32, #tpu.memory_space<hbm>>
      %dma_wait3A_513 = arith.constant 0 : i32
      %dma_wait3A_514 = arith.constant 0 : i32
      %dma_wait3A_515 = tpu.memref_slice %arg6[%dma_wait3A_505, %dma_wait3A_513, %dma_wait3A_514] : memref<2x800x64xf32, #tpu.memory_space<vmem>> -> memref<1x800x64xf32, #tpu.memory_space<vmem>>
      %dma_wait3A_516 = tpu.memref_squeeze %dma_wait3A_515 : memref<1x800x64xf32, #tpu.memory_space<vmem>> -> memref<800x64xf32, #tpu.memory_space<vmem>>
      %dma_wait3A_517 = arith.constant 0 : i32
      %dma_wait3A_518 = arith.constant 0 : i32
      %dma_wait3A_519 = tpu.memref_slice %arg3[%dma_wait3A_517, %dma_wait3A_518] : memref<1000000x64xf32, #tpu.memory_space<hbm>> -> memref<800x64xf32, #tpu.memory_space<hbm>>
      tpu.wait_dma2 semaphore(%arg8 : memref<!tpu.dma_semaphore, #tpu.memory_space<semaphore_mem>>) src(%dma_wait3A_519 : memref<800x64xf32, #tpu.memory_space<hbm>>) dst(%dma_wait3A_516 : memref<800x64xf32, #tpu.memory_space<vmem>>)
      %sub3A_520 = arith.constant 1 : i32
      %sub3A_521 = arith.subi %add3A_404, %sub3A_520 : i32
      %mul3A_522 = arith.constant 4 : i32
      %mul3A_523 = arith.muli %sub3A_521, %mul3A_522 : i32
      %add3A_524 = arith.addi %mul3A_2, %mul3A_523 : i32
      %add3A_525 = arith.constant 0 : i32
      %add3A_526 = arith.addi %add3A_524, %add3A_525 : i32
      %mul3A_527 = arith.constant 4 : i32
      %mul3A_528 = arith.muli %sub3A_521, %mul3A_527 : i32
      %add3A_529 = arith.addi %mul3A_2, %mul3A_528 : i32
      %add3A_530 = arith.constant 1 : i32
      %add3A_531 = arith.addi %add3A_529, %add3A_530 : i32
      %mul3A_532 = arith.constant 4 : i32
      %mul3A_533 = arith.muli %sub3A_521, %mul3A_532 : i32
      %add3A_534 = arith.addi %mul3A_2, %mul3A_533 : i32
      %add3A_535 = arith.constant 2 : i32
      %add3A_536 = arith.addi %add3A_534, %add3A_535 : i32
      %mul3A_537 = arith.constant 4 : i32
      %mul3A_538 = arith.muli %sub3A_521, %mul3A_537 : i32
      %add3A_539 = arith.addi %mul3A_2, %mul3A_538 : i32
      %add3A_540 = arith.constant 3 : i32
      %add3A_541 = arith.addi %add3A_539, %add3A_540 : i32
      %dma_start3A_542 = arith.constant 1 : i32
      %dma_start3A_543 = arith.constant 0 : i32
      %dma_start3A_544 = arith.constant 0 : i32
      %dma_start3A_545 = tpu.memref_slice %arg6[%dma_start3A_542, %dma_start3A_543, %dma_start3A_544] : memref<2x800x64xf32, #tpu.memory_space<vmem>> -> memref<1x200x64xf32, #tpu.memory_space<vmem>>
      %dma_start3A_546 = tpu.memref_squeeze %dma_start3A_545 : memref<1x200x64xf32, #tpu.memory_space<vmem>> -> memref<200x64xf32, #tpu.memory_space<vmem>>
      %dma_start3A_547 = arith.constant 0 : i32
      %dma_start3A_548 = arith.constant 0 : i32
      %dma_start3A_549 = tpu.memref_slice %arg4[%add3A_526, %dma_start3A_547, %dma_start3A_548] : memref<4096x200x64xf32, #tpu.memory_space<hbm>> -> memref<1x200x64xf32, #tpu.memory_space<hbm>>
      %dma_start3A_550 = tpu.memref_squeeze %dma_start3A_549 : memref<1x200x64xf32, #tpu.memory_space<hbm>> -> memref<200x64xf32, #tpu.memory_space<hbm>>
      %dma_start3A_551 = arith.constant 0 : i32
      %dma_start3A_552 = arith.constant 0 : i32
      %dma_start3A_553 = tpu.memref_slice %arg4[%add3A_526, %dma_start3A_551, %dma_start3A_552] : memref<4096x200x64xf32, #tpu.memory_space<hbm>> -> memref<1x200x64xf32, #tpu.memory_space<hbm>>
      %dma_start3A_554 = tpu.memref_squeeze %dma_start3A_553 : memref<1x200x64xf32, #tpu.memory_space<hbm>> -> memref<200x64xf32, #tpu.memory_space<hbm>>
      %dma_start3A_555 = arith.constant 0 : i32
      %dma_start3A_556 = arith.constant 0 : i32
      %dma_start3A_557 = tpu.memref_slice %arg6[%dma_start3A_542, %dma_start3A_555, %dma_start3A_556] : memref<2x800x64xf32, #tpu.memory_space<vmem>> -> memref<1x200x64xf32, #tpu.memory_space<vmem>>
      %dma_start3A_558 = tpu.memref_squeeze %dma_start3A_557 : memref<1x200x64xf32, #tpu.memory_space<vmem>> -> memref<200x64xf32, #tpu.memory_space<vmem>>
      tpu.enqueue_dma source(%dma_start3A_558 : memref<200x64xf32, #tpu.memory_space<vmem>>) target(%dma_start3A_554 : memref<200x64xf32, #tpu.memory_space<hbm>>) target_semaphore(%arg10 : memref<!tpu.dma_semaphore, #tpu.memory_space<semaphore_mem>>)
      %dma_start3A_559 = arith.constant 1 : i32
      %dma_start3A_560 = arith.constant 200 : i32
      %dma_start3A_561 = arith.constant 0 : i32
      %dma_start3A_562 = tpu.memref_slice %arg6[%dma_start3A_559, %dma_start3A_560, %dma_start3A_561] : memref<2x800x64xf32, #tpu.memory_space<vmem>> -> memref<1x200x64xf32, #tpu.memory_space<vmem>>
      %dma_start3A_563 = tpu.memref_squeeze %dma_start3A_562 : memref<1x200x64xf32, #tpu.memory_space<vmem>> -> memref<200x64xf32, #tpu.memory_space<vmem>>
      %dma_start3A_564 = arith.constant 0 : i32
      %dma_start3A_565 = arith.constant 0 : i32
      %dma_start3A_566 = tpu.memref_slice %arg4[%add3A_531, %dma_start3A_564, %dma_start3A_565] : memref<4096x200x64xf32, #tpu.memory_space<hbm>> -> memref<1x200x64xf32, #tpu.memory_space<hbm>>
      %dma_start3A_567 = tpu.memref_squeeze %dma_start3A_566 : memref<1x200x64xf32, #tpu.memory_space<hbm>> -> memref<200x64xf32, #tpu.memory_space<hbm>>
      %dma_start3A_568 = arith.constant 0 : i32
      %dma_start3A_569 = arith.constant 0 : i32
      %dma_start3A_570 = tpu.memref_slice %arg4[%add3A_531, %dma_start3A_568, %dma_start3A_569] : memref<4096x200x64xf32, #tpu.memory_space<hbm>> -> memref<1x200x64xf32, #tpu.memory_space<hbm>>
      %dma_start3A_571 = tpu.memref_squeeze %dma_start3A_570 : memref<1x200x64xf32, #tpu.memory_space<hbm>> -> memref<200x64xf32, #tpu.memory_space<hbm>>
      %dma_start3A_572 = arith.constant 200 : i32
      %dma_start3A_573 = arith.constant 0 : i32
      %dma_start3A_574 = tpu.memref_slice %arg6[%dma_start3A_559, %dma_start3A_572, %dma_start3A_573] : memref<2x800x64xf32, #tpu.memory_space<vmem>> -> memref<1x200x64xf32, #tpu.memory_space<vmem>>
      %dma_start3A_575 = tpu.memref_squeeze %dma_start3A_574 : memref<1x200x64xf32, #tpu.memory_space<vmem>> -> memref<200x64xf32, #tpu.memory_space<vmem>>
      tpu.enqueue_dma source(%dma_start3A_575 : memref<200x64xf32, #tpu.memory_space<vmem>>) target(%dma_start3A_571 : memref<200x64xf32, #tpu.memory_space<hbm>>) target_semaphore(%arg10 : memref<!tpu.dma_semaphore, #tpu.memory_space<semaphore_mem>>)
      %dma_start3A_576 = arith.constant 1 : i32
      %dma_start3A_577 = arith.constant 400 : i32
      %dma_start3A_578 = arith.constant 0 : i32
      %dma_start3A_579 = tpu.memref_slice %arg6[%dma_start3A_576, %dma_start3A_577, %dma_start3A_578] : memref<2x800x64xf32, #tpu.memory_space<vmem>> -> memref<1x200x64xf32, #tpu.memory_space<vmem>>
      %dma_start3A_580 = tpu.memref_squeeze %dma_start3A_579 : memref<1x200x64xf32, #tpu.memory_space<vmem>> -> memref<200x64xf32, #tpu.memory_space<vmem>>
      %dma_start3A_581 = arith.constant 0 : i32
      %dma_start3A_582 = arith.constant 0 : i32
      %dma_start3A_583 = tpu.memref_slice %arg4[%add3A_536, %dma_start3A_581, %dma_start3A_582] : memref<4096x200x64xf32, #tpu.memory_space<hbm>> -> memref<1x200x64xf32, #tpu.memory_space<hbm>>
      %dma_start3A_584 = tpu.memref_squeeze %dma_start3A_583 : memref<1x200x64xf32, #tpu.memory_space<hbm>> -> memref<200x64xf32, #tpu.memory_space<hbm>>
      %dma_start3A_585 = arith.constant 0 : i32
      %dma_start3A_586 = arith.constant 0 : i32
      %dma_start3A_587 = tpu.memref_slice %arg4[%add3A_536, %dma_start3A_585, %dma_start3A_586] : memref<4096x200x64xf32, #tpu.memory_space<hbm>> -> memref<1x200x64xf32, #tpu.memory_space<hbm>>
      %dma_start3A_588 = tpu.memref_squeeze %dma_start3A_587 : memref<1x200x64xf32, #tpu.memory_space<hbm>> -> memref<200x64xf32, #tpu.memory_space<hbm>>
      %dma_start3A_589 = arith.constant 400 : i32
      %dma_start3A_590 = arith.constant 0 : i32
      %dma_start3A_591 = tpu.memref_slice %arg6[%dma_start3A_576, %dma_start3A_589, %dma_start3A_590] : memref<2x800x64xf32, #tpu.memory_space<vmem>> -> memref<1x200x64xf32, #tpu.memory_space<vmem>>
      %dma_start3A_592 = tpu.memref_squeeze %dma_start3A_591 : memref<1x200x64xf32, #tpu.memory_space<vmem>> -> memref<200x64xf32, #tpu.memory_space<vmem>>
      tpu.enqueue_dma source(%dma_start3A_592 : memref<200x64xf32, #tpu.memory_space<vmem>>) target(%dma_start3A_588 : memref<200x64xf32, #tpu.memory_space<hbm>>) target_semaphore(%arg10 : memref<!tpu.dma_semaphore, #tpu.memory_space<semaphore_mem>>)
      %dma_start3A_593 = arith.constant 1 : i32
      %dma_start3A_594 = arith.constant 600 : i32
      %dma_start3A_595 = arith.constant 0 : i32
      %dma_start3A_596 = tpu.memref_slice %arg6[%dma_start3A_593, %dma_start3A_594, %dma_start3A_595] : memref<2x800x64xf32, #tpu.memory_space<vmem>> -> memref<1x200x64xf32, #tpu.memory_space<vmem>>
      %dma_start3A_597 = tpu.memref_squeeze %dma_start3A_596 : memref<1x200x64xf32, #tpu.memory_space<vmem>> -> memref<200x64xf32, #tpu.memory_space<vmem>>
      %dma_start3A_598 = arith.constant 0 : i32
      %dma_start3A_599 = arith.constant 0 : i32
      %dma_start3A_600 = tpu.memref_slice %arg4[%add3A_541, %dma_start3A_598, %dma_start3A_599] : memref<4096x200x64xf32, #tpu.memory_space<hbm>> -> memref<1x200x64xf32, #tpu.memory_space<hbm>>
      %dma_start3A_601 = tpu.memref_squeeze %dma_start3A_600 : memref<1x200x64xf32, #tpu.memory_space<hbm>> -> memref<200x64xf32, #tpu.memory_space<hbm>>
      %dma_start3A_602 = arith.constant 0 : i32
      %dma_start3A_603 = arith.constant 0 : i32
      %dma_start3A_604 = tpu.memref_slice %arg4[%add3A_541, %dma_start3A_602, %dma_start3A_603] : memref<4096x200x64xf32, #tpu.memory_space<hbm>> -> memref<1x200x64xf32, #tpu.memory_space<hbm>>
      %dma_start3A_605 = tpu.memref_squeeze %dma_start3A_604 : memref<1x200x64xf32, #tpu.memory_space<hbm>> -> memref<200x64xf32, #tpu.memory_space<hbm>>
      %dma_start3A_606 = arith.constant 600 : i32
      %dma_start3A_607 = arith.constant 0 : i32
      %dma_start3A_608 = tpu.memref_slice %arg6[%dma_start3A_593, %dma_start3A_606, %dma_start3A_607] : memref<2x800x64xf32, #tpu.memory_space<vmem>> -> memref<1x200x64xf32, #tpu.memory_space<vmem>>
      %dma_start3A_609 = tpu.memref_squeeze %dma_start3A_608 : memref<1x200x64xf32, #tpu.memory_space<vmem>> -> memref<200x64xf32, #tpu.memory_space<vmem>>
      tpu.enqueue_dma source(%dma_start3A_609 : memref<200x64xf32, #tpu.memory_space<vmem>>) target(%dma_start3A_605 : memref<200x64xf32, #tpu.memory_space<hbm>>) target_semaphore(%arg10 : memref<!tpu.dma_semaphore, #tpu.memory_space<semaphore_mem>>)
      %add3A_610 = arith.constant 1 : i32
      %add3A_611 = arith.addi %add3A_402, %add3A_610 : i32
      %sub3A_612 = arith.constant 2 : i32
      %sub3A_613 = arith.subi %add3A_611, %sub3A_612 : i32
      %mul3A_614 = arith.constant 4 : i32
      %mul3A_615 = arith.muli %sub3A_613, %mul3A_614 : i32
      %add3A_616 = arith.addi %mul3A_2, %mul3A_615 : i32
      %add3A_617 = arith.constant 0 : i32
      %add3A_618 = arith.addi %add3A_616, %add3A_617 : i32
      %mul3A_619 = arith.constant 4 : i32
      %mul3A_620 = arith.muli %sub3A_613, %mul3A_619 : i32
      %add3A_621 = arith.addi %mul3A_2, %mul3A_620 : i32
      %add3A_622 = arith.constant 1 : i32
      %add3A_623 = arith.addi %add3A_621, %add3A_622 : i32
      %mul3A_624 = arith.constant 4 : i32
      %mul3A_625 = arith.muli %sub3A_613, %mul3A_624 : i32
      %add3A_626 = arith.addi %mul3A_2, %mul3A_625 : i32
      %add3A_627 = arith.constant 2 : i32
      %add3A_628 = arith.addi %add3A_626, %add3A_627 : i32
      %mul3A_629 = arith.constant 4 : i32
      %mul3A_630 = arith.muli %sub3A_613, %mul3A_629 : i32
      %add3A_631 = arith.addi %mul3A_2, %mul3A_630 : i32
      %add3A_632 = arith.constant 3 : i32
      %add3A_633 = arith.addi %add3A_631, %add3A_632 : i32
      %dma_wait3A_634 = arith.constant 1 : i32
      %dma_wait3A_635 = arith.constant 0 : i32
      %dma_wait3A_636 = arith.constant 0 : i32
      %dma_wait3A_637 = tpu.memref_slice %arg6[%dma_wait3A_634, %dma_wait3A_635, %dma_wait3A_636] : memref<2x800x64xf32, #tpu.memory_space<vmem>> -> memref<1x200x64xf32, #tpu.memory_space<vmem>>
      %dma_wait3A_638 = tpu.memref_squeeze %dma_wait3A_637 : memref<1x200x64xf32, #tpu.memory_space<vmem>> -> memref<200x64xf32, #tpu.memory_space<vmem>>
      %dma_wait3A_639 = arith.constant 0 : i32
      %dma_wait3A_640 = arith.constant 0 : i32
      %dma_wait3A_641 = tpu.memref_slice %arg4[%add3A_618, %dma_wait3A_639, %dma_wait3A_640] : memref<4096x200x64xf32, #tpu.memory_space<hbm>> -> memref<1x200x64xf32, #tpu.memory_space<hbm>>
      %dma_wait3A_642 = tpu.memref_squeeze %dma_wait3A_641 : memref<1x200x64xf32, #tpu.memory_space<hbm>> -> memref<200x64xf32, #tpu.memory_space<hbm>>
      %dma_wait3A_643 = arith.constant 0 : i32
      %dma_wait3A_644 = arith.constant 0 : i32
      %dma_wait3A_645 = tpu.memref_slice %arg4[%add3A_618, %dma_wait3A_643, %dma_wait3A_644] : memref<4096x200x64xf32, #tpu.memory_space<hbm>> -> memref<1x200x64xf32, #tpu.memory_space<hbm>>
      %dma_wait3A_646 = tpu.memref_squeeze %dma_wait3A_645 : memref<1x200x64xf32, #tpu.memory_space<hbm>> -> memref<200x64xf32, #tpu.memory_space<hbm>>
      %dma_wait3A_647 = arith.constant 0 : i32
      %dma_wait3A_648 = arith.constant 0 : i32
      %dma_wait3A_649 = tpu.memref_slice %arg6[%dma_wait3A_634, %dma_wait3A_647, %dma_wait3A_648] : memref<2x800x64xf32, #tpu.memory_space<vmem>> -> memref<1x200x64xf32, #tpu.memory_space<vmem>>
      %dma_wait3A_650 = tpu.memref_squeeze %dma_wait3A_649 : memref<1x200x64xf32, #tpu.memory_space<vmem>> -> memref<200x64xf32, #tpu.memory_space<vmem>>
      tpu.wait_dma2 semaphore(%arg10 : memref<!tpu.dma_semaphore, #tpu.memory_space<semaphore_mem>>) src(%dma_wait3A_650 : memref<200x64xf32, #tpu.memory_space<vmem>>) dst(%dma_wait3A_646 : memref<200x64xf32, #tpu.memory_space<hbm>>)
      %dma_wait3A_651 = arith.constant 1 : i32
      %dma_wait3A_652 = arith.constant 200 : i32
      %dma_wait3A_653 = arith.constant 0 : i32
      %dma_wait3A_654 = tpu.memref_slice %arg6[%dma_wait3A_651, %dma_wait3A_652, %dma_wait3A_653] : memref<2x800x64xf32, #tpu.memory_space<vmem>> -> memref<1x200x64xf32, #tpu.memory_space<vmem>>
      %dma_wait3A_655 = tpu.memref_squeeze %dma_wait3A_654 : memref<1x200x64xf32, #tpu.memory_space<vmem>> -> memref<200x64xf32, #tpu.memory_space<vmem>>
      %dma_wait3A_656 = arith.constant 0 : i32
      %dma_wait3A_657 = arith.constant 0 : i32
      %dma_wait3A_658 = tpu.memref_slice %arg4[%add3A_623, %dma_wait3A_656, %dma_wait3A_657] : memref<4096x200x64xf32, #tpu.memory_space<hbm>> -> memref<1x200x64xf32, #tpu.memory_space<hbm>>
      %dma_wait3A_659 = tpu.memref_squeeze %dma_wait3A_658 : memref<1x200x64xf32, #tpu.memory_space<hbm>> -> memref<200x64xf32, #tpu.memory_space<hbm>>
      %dma_wait3A_660 = arith.constant 0 : i32
      %dma_wait3A_661 = arith.constant 0 : i32
      %dma_wait3A_662 = tpu.memref_slice %arg4[%add3A_623, %dma_wait3A_660, %dma_wait3A_661] : memref<4096x200x64xf32, #tpu.memory_space<hbm>> -> memref<1x200x64xf32, #tpu.memory_space<hbm>>
      %dma_wait3A_663 = tpu.memref_squeeze %dma_wait3A_662 : memref<1x200x64xf32, #tpu.memory_space<hbm>> -> memref<200x64xf32, #tpu.memory_space<hbm>>
      %dma_wait3A_664 = arith.constant 200 : i32
      %dma_wait3A_665 = arith.constant 0 : i32
      %dma_wait3A_666 = tpu.memref_slice %arg6[%dma_wait3A_651, %dma_wait3A_664, %dma_wait3A_665] : memref<2x800x64xf32, #tpu.memory_space<vmem>> -> memref<1x200x64xf32, #tpu.memory_space<vmem>>
      %dma_wait3A_667 = tpu.memref_squeeze %dma_wait3A_666 : memref<1x200x64xf32, #tpu.memory_space<vmem>> -> memref<200x64xf32, #tpu.memory_space<vmem>>
      tpu.wait_dma2 semaphore(%arg10 : memref<!tpu.dma_semaphore, #tpu.memory_space<semaphore_mem>>) src(%dma_wait3A_667 : memref<200x64xf32, #tpu.memory_space<vmem>>) dst(%dma_wait3A_663 : memref<200x64xf32, #tpu.memory_space<hbm>>)
      %dma_wait3A_668 = arith.constant 1 : i32
      %dma_wait3A_669 = arith.constant 400 : i32
      %dma_wait3A_670 = arith.constant 0 : i32
      %dma_wait3A_671 = tpu.memref_slice %arg6[%dma_wait3A_668, %dma_wait3A_669, %dma_wait3A_670] : memref<2x800x64xf32, #tpu.memory_space<vmem>> -> memref<1x200x64xf32, #tpu.memory_space<vmem>>
      %dma_wait3A_672 = tpu.memref_squeeze %dma_wait3A_671 : memref<1x200x64xf32, #tpu.memory_space<vmem>> -> memref<200x64xf32, #tpu.memory_space<vmem>>
      %dma_wait3A_673 = arith.constant 0 : i32
      %dma_wait3A_674 = arith.constant 0 : i32
      %dma_wait3A_675 = tpu.memref_slice %arg4[%add3A_628, %dma_wait3A_673, %dma_wait3A_674] : memref<4096x200x64xf32, #tpu.memory_space<hbm>> -> memref<1x200x64xf32, #tpu.memory_space<hbm>>
      %dma_wait3A_676 = tpu.memref_squeeze %dma_wait3A_675 : memref<1x200x64xf32, #tpu.memory_space<hbm>> -> memref<200x64xf32, #tpu.memory_space<hbm>>
      %dma_wait3A_677 = arith.constant 0 : i32
      %dma_wait3A_678 = arith.constant 0 : i32
      %dma_wait3A_679 = tpu.memref_slice %arg4[%add3A_628, %dma_wait3A_677, %dma_wait3A_678] : memref<4096x200x64xf32, #tpu.memory_space<hbm>> -> memref<1x200x64xf32, #tpu.memory_space<hbm>>
      %dma_wait3A_680 = tpu.memref_squeeze %dma_wait3A_679 : memref<1x200x64xf32, #tpu.memory_space<hbm>> -> memref<200x64xf32, #tpu.memory_space<hbm>>
      %dma_wait3A_681 = arith.constant 400 : i32
      %dma_wait3A_682 = arith.constant 0 : i32
      %dma_wait3A_683 = tpu.memref_slice %arg6[%dma_wait3A_668, %dma_wait3A_681, %dma_wait3A_682] : memref<2x800x64xf32, #tpu.memory_space<vmem>> -> memref<1x200x64xf32, #tpu.memory_space<vmem>>
      %dma_wait3A_684 = tpu.memref_squeeze %dma_wait3A_683 : memref<1x200x64xf32, #tpu.memory_space<vmem>> -> memref<200x64xf32, #tpu.memory_space<vmem>>
      tpu.wait_dma2 semaphore(%arg10 : memref<!tpu.dma_semaphore, #tpu.memory_space<semaphore_mem>>) src(%dma_wait3A_684 : memref<200x64xf32, #tpu.memory_space<vmem>>) dst(%dma_wait3A_680 : memref<200x64xf32, #tpu.memory_space<hbm>>)
      %dma_wait3A_685 = arith.constant 1 : i32
      %dma_wait3A_686 = arith.constant 600 : i32
      %dma_wait3A_687 = arith.constant 0 : i32
      %dma_wait3A_688 = tpu.memref_slice %arg6[%dma_wait3A_685, %dma_wait3A_686, %dma_wait3A_687] : memref<2x800x64xf32, #tpu.memory_space<vmem>> -> memref<1x200x64xf32, #tpu.memory_space<vmem>>
      %dma_wait3A_689 = tpu.memref_squeeze %dma_wait3A_688 : memref<1x200x64xf32, #tpu.memory_space<vmem>> -> memref<200x64xf32, #tpu.memory_space<vmem>>
      %dma_wait3A_690 = arith.constant 0 : i32
      %dma_wait3A_691 = arith.constant 0 : i32
      %dma_wait3A_692 = tpu.memref_slice %arg4[%add3A_633, %dma_wait3A_690, %dma_wait3A_691] : memref<4096x200x64xf32, #tpu.memory_space<hbm>> -> memref<1x200x64xf32, #tpu.memory_space<hbm>>
      %dma_wait3A_693 = tpu.memref_squeeze %dma_wait3A_692 : memref<1x200x64xf32, #tpu.memory_space<hbm>> -> memref<200x64xf32, #tpu.memory_space<hbm>>
      %dma_wait3A_694 = arith.constant 0 : i32
      %dma_wait3A_695 = arith.constant 0 : i32
      %dma_wait3A_696 = tpu.memref_slice %arg4[%add3A_633, %dma_wait3A_694, %dma_wait3A_695] : memref<4096x200x64xf32, #tpu.memory_space<hbm>> -> memref<1x200x64xf32, #tpu.memory_space<hbm>>
      %dma_wait3A_697 = tpu.memref_squeeze %dma_wait3A_696 : memref<1x200x64xf32, #tpu.memory_space<hbm>> -> memref<200x64xf32, #tpu.memory_space<hbm>>
      %dma_wait3A_698 = arith.constant 600 : i32
      %dma_wait3A_699 = arith.constant 0 : i32
      %dma_wait3A_700 = tpu.memref_slice %arg6[%dma_wait3A_685, %dma_wait3A_698, %dma_wait3A_699] : memref<2x800x64xf32, #tpu.memory_space<vmem>> -> memref<1x200x64xf32, #tpu.memory_space<vmem>>
      %dma_wait3A_701 = tpu.memref_squeeze %dma_wait3A_700 : memref<1x200x64xf32, #tpu.memory_space<vmem>> -> memref<200x64xf32, #tpu.memory_space<vmem>>
      tpu.wait_dma2 semaphore(%arg10 : memref<!tpu.dma_semaphore, #tpu.memory_space<semaphore_mem>>) src(%dma_wait3A_701 : memref<200x64xf32, #tpu.memory_space<vmem>>) dst(%dma_wait3A_697 : memref<200x64xf32, #tpu.memory_space<hbm>>)
      %dma_start3A_702 = arith.constant 1 : i32
      %dma_start3A_703 = arith.constant 0 : i32
      %dma_start3A_704 = arith.constant 0 : i32
      %dma_start3A_705 = tpu.memref_slice %arg6[%dma_start3A_702, %dma_start3A_703, %dma_start3A_704] : memref<2x800x64xf32, #tpu.memory_space<vmem>> -> memref<1x800x64xf32, #tpu.memory_space<vmem>>
      %dma_start3A_706 = tpu.memref_squeeze %dma_start3A_705 : memref<1x800x64xf32, #tpu.memory_space<vmem>> -> memref<800x64xf32, #tpu.memory_space<vmem>>
      %dma_start3A_707 = arith.constant 0 : i32
      %dma_start3A_708 = tpu.memref_slice %arg5[%add3A_611, %dma_start3A_707] : memref<32x800xi32, #tpu.memory_space<vmem>> -> memref<1x800xi32, #tpu.memory_space<vmem>>
      %dma_start3A_709 = tpu.memref_squeeze %dma_start3A_708 : memref<1x800xi32, #tpu.memory_space<vmem>> -> memref<800xi32, #tpu.memory_space<vmem>>
      %dma_start3A_710 = arith.constant 0 : i32
      %dma_start3A_711 = arith.constant 0 : i32
      %dma_start3A_712 = tpu.memref_slice %arg3[%dma_start3A_710, %dma_start3A_711] : memref<1000000x64xf32, #tpu.memory_space<hbm>> -> memref<1000000x64xf32, #tpu.memory_space<hbm>>
      tpu.enqueue_indirect_dma source(%dma_start3A_712 : memref<1000000x64xf32, #tpu.memory_space<hbm>>) target(%dma_start3A_706 : memref<800x64xf32, #tpu.memory_space<vmem>>) offsets(%dma_start3A_709 : memref<800xi32, #tpu.memory_space<vmem>>) semaphore(%arg8 : memref<!tpu.dma_semaphore, #tpu.memory_space<semaphore_mem>>)
      %dma_wait3A_713 = arith.constant 0 : i32
      %dma_wait3A_714 = arith.constant 0 : i32
      %dma_wait3A_715 = arith.constant 0 : i32
      %dma_wait3A_716 = tpu.memref_slice %arg6[%dma_wait3A_713, %dma_wait3A_714, %dma_wait3A_715] : memref<2x800x64xf32, #tpu.memory_space<vmem>> -> memref<1x800x64xf32, #tpu.memory_space<vmem>>
      %dma_wait3A_717 = tpu.memref_squeeze %dma_wait3A_716 : memref<1x800x64xf32, #tpu.memory_space<vmem>> -> memref<800x64xf32, #tpu.memory_space<vmem>>
      %dma_wait3A_718 = arith.constant 0 : i32
      %dma_wait3A_719 = arith.constant 0 : i32
      %dma_wait3A_720 = tpu.memref_slice %arg3[%dma_wait3A_718, %dma_wait3A_719] : memref<1000000x64xf32, #tpu.memory_space<hbm>> -> memref<800x64xf32, #tpu.memory_space<hbm>>
      %dma_wait3A_721 = arith.constant 0 : i32
      %dma_wait3A_722 = arith.constant 0 : i32
      %dma_wait3A_723 = tpu.memref_slice %arg6[%dma_wait3A_713, %dma_wait3A_721, %dma_wait3A_722] : memref<2x800x64xf32, #tpu.memory_space<vmem>> -> memref<1x800x64xf32, #tpu.memory_space<vmem>>
      %dma_wait3A_724 = tpu.memref_squeeze %dma_wait3A_723 : memref<1x800x64xf32, #tpu.memory_space<vmem>> -> memref<800x64xf32, #tpu.memory_space<vmem>>
      %dma_wait3A_725 = arith.constant 0 : i32
      %dma_wait3A_726 = arith.constant 0 : i32
      %dma_wait3A_727 = tpu.memref_slice %arg3[%dma_wait3A_725, %dma_wait3A_726] : memref<1000000x64xf32, #tpu.memory_space<hbm>> -> memref<800x64xf32, #tpu.memory_space<hbm>>
      tpu.wait_dma2 semaphore(%arg7 : memref<!tpu.dma_semaphore, #tpu.memory_space<semaphore_mem>>) src(%dma_wait3A_727 : memref<800x64xf32, #tpu.memory_space<hbm>>) dst(%dma_wait3A_724 : memref<800x64xf32, #tpu.memory_space<vmem>>)
      %sub3A_728 = arith.constant 1 : i32
      %sub3A_729 = arith.subi %add3A_611, %sub3A_728 : i32
      %mul3A_730 = arith.constant 4 : i32
      %mul3A_731 = arith.muli %sub3A_729, %mul3A_730 : i32
      %add3A_732 = arith.addi %mul3A_2, %mul3A_731 : i32
      %add3A_733 = arith.constant 0 : i32
      %add3A_734 = arith.addi %add3A_732, %add3A_733 : i32
      %mul3A_735 = arith.constant 4 : i32
      %mul3A_736 = arith.muli %sub3A_729, %mul3A_735 : i32
      %add3A_737 = arith.addi %mul3A_2, %mul3A_736 : i32
      %add3A_738 = arith.constant 1 : i32
      %add3A_739 = arith.addi %add3A_737, %add3A_738 : i32
      %mul3A_740 = arith.constant 4 : i32
      %mul3A_741 = arith.muli %sub3A_729, %mul3A_740 : i32
      %add3A_742 = arith.addi %mul3A_2, %mul3A_741 : i32
      %add3A_743 = arith.constant 2 : i32
      %add3A_744 = arith.addi %add3A_742, %add3A_743 : i32
      %mul3A_745 = arith.constant 4 : i32
      %mul3A_746 = arith.muli %sub3A_729, %mul3A_745 : i32
      %add3A_747 = arith.addi %mul3A_2, %mul3A_746 : i32
      %add3A_748 = arith.constant 3 : i32
      %add3A_749 = arith.addi %add3A_747, %add3A_748 : i32
      %dma_start3A_750 = arith.constant 0 : i32
      %dma_start3A_751 = arith.constant 0 : i32
      %dma_start3A_752 = arith.constant 0 : i32
      %dma_start3A_753 = tpu.memref_slice %arg6[%dma_start3A_750, %dma_start3A_751, %dma_start3A_752] : memref<2x800x64xf32, #tpu.memory_space<vmem>> -> memref<1x200x64xf32, #tpu.memory_space<vmem>>
      %dma_start3A_754 = tpu.memref_squeeze %dma_start3A_753 : memref<1x200x64xf32, #tpu.memory_space<vmem>> -> memref<200x64xf32, #tpu.memory_space<vmem>>
      %dma_start3A_755 = arith.constant 0 : i32
      %dma_start3A_756 = arith.constant 0 : i32
      %dma_start3A_757 = tpu.memref_slice %arg4[%add3A_734, %dma_start3A_755, %dma_start3A_756] : memref<4096x200x64xf32, #tpu.memory_space<hbm>> -> memref<1x200x64xf32, #tpu.memory_space<hbm>>
      %dma_start3A_758 = tpu.memref_squeeze %dma_start3A_757 : memref<1x200x64xf32, #tpu.memory_space<hbm>> -> memref<200x64xf32, #tpu.memory_space<hbm>>
      %dma_start3A_759 = arith.constant 0 : i32
      %dma_start3A_760 = arith.constant 0 : i32
      %dma_start3A_761 = tpu.memref_slice %arg4[%add3A_734, %dma_start3A_759, %dma_start3A_760] : memref<4096x200x64xf32, #tpu.memory_space<hbm>> -> memref<1x200x64xf32, #tpu.memory_space<hbm>>
      %dma_start3A_762 = tpu.memref_squeeze %dma_start3A_761 : memref<1x200x64xf32, #tpu.memory_space<hbm>> -> memref<200x64xf32, #tpu.memory_space<hbm>>
      %dma_start3A_763 = arith.constant 0 : i32
      %dma_start3A_764 = arith.constant 0 : i32
      %dma_start3A_765 = tpu.memref_slice %arg6[%dma_start3A_750, %dma_start3A_763, %dma_start3A_764] : memref<2x800x64xf32, #tpu.memory_space<vmem>> -> memref<1x200x64xf32, #tpu.memory_space<vmem>>
      %dma_start3A_766 = tpu.memref_squeeze %dma_start3A_765 : memref<1x200x64xf32, #tpu.memory_space<vmem>> -> memref<200x64xf32, #tpu.memory_space<vmem>>
      tpu.enqueue_dma source(%dma_start3A_766 : memref<200x64xf32, #tpu.memory_space<vmem>>) target(%dma_start3A_762 : memref<200x64xf32, #tpu.memory_space<hbm>>) target_semaphore(%arg9 : memref<!tpu.dma_semaphore, #tpu.memory_space<semaphore_mem>>)
      %dma_start3A_767 = arith.constant 0 : i32
      %dma_start3A_768 = arith.constant 200 : i32
      %dma_start3A_769 = arith.constant 0 : i32
      %dma_start3A_770 = tpu.memref_slice %arg6[%dma_start3A_767, %dma_start3A_768, %dma_start3A_769] : memref<2x800x64xf32, #tpu.memory_space<vmem>> -> memref<1x200x64xf32, #tpu.memory_space<vmem>>
      %dma_start3A_771 = tpu.memref_squeeze %dma_start3A_770 : memref<1x200x64xf32, #tpu.memory_space<vmem>> -> memref<200x64xf32, #tpu.memory_space<vmem>>
      %dma_start3A_772 = arith.constant 0 : i32
      %dma_start3A_773 = arith.constant 0 : i32
      %dma_start3A_774 = tpu.memref_slice %arg4[%add3A_739, %dma_start3A_772, %dma_start3A_773] : memref<4096x200x64xf32, #tpu.memory_space<hbm>> -> memref<1x200x64xf32, #tpu.memory_space<hbm>>
      %dma_start3A_775 = tpu.memref_squeeze %dma_start3A_774 : memref<1x200x64xf32, #tpu.memory_space<hbm>> -> memref<200x64xf32, #tpu.memory_space<hbm>>
      %dma_start3A_776 = arith.constant 0 : i32
      %dma_start3A_777 = arith.constant 0 : i32
      %dma_start3A_778 = tpu.memref_slice %arg4[%add3A_739, %dma_start3A_776, %dma_start3A_777] : memref<4096x200x64xf32, #tpu.memory_space<hbm>> -> memref<1x200x64xf32, #tpu.memory_space<hbm>>
      %dma_start3A_779 = tpu.memref_squeeze %dma_start3A_778 : memref<1x200x64xf32, #tpu.memory_space<hbm>> -> memref<200x64xf32, #tpu.memory_space<hbm>>
      %dma_start3A_780 = arith.constant 200 : i32
      %dma_start3A_781 = arith.constant 0 : i32
      %dma_start3A_782 = tpu.memref_slice %arg6[%dma_start3A_767, %dma_start3A_780, %dma_start3A_781] : memref<2x800x64xf32, #tpu.memory_space<vmem>> -> memref<1x200x64xf32, #tpu.memory_space<vmem>>
      %dma_start3A_783 = tpu.memref_squeeze %dma_start3A_782 : memref<1x200x64xf32, #tpu.memory_space<vmem>> -> memref<200x64xf32, #tpu.memory_space<vmem>>
      tpu.enqueue_dma source(%dma_start3A_783 : memref<200x64xf32, #tpu.memory_space<vmem>>) target(%dma_start3A_779 : memref<200x64xf32, #tpu.memory_space<hbm>>) target_semaphore(%arg9 : memref<!tpu.dma_semaphore, #tpu.memory_space<semaphore_mem>>)
      %dma_start3A_784 = arith.constant 0 : i32
      %dma_start3A_785 = arith.constant 400 : i32
      %dma_start3A_786 = arith.constant 0 : i32
      %dma_start3A_787 = tpu.memref_slice %arg6[%dma_start3A_784, %dma_start3A_785, %dma_start3A_786] : memref<2x800x64xf32, #tpu.memory_space<vmem>> -> memref<1x200x64xf32, #tpu.memory_space<vmem>>
      %dma_start3A_788 = tpu.memref_squeeze %dma_start3A_787 : memref<1x200x64xf32, #tpu.memory_space<vmem>> -> memref<200x64xf32, #tpu.memory_space<vmem>>
      %dma_start3A_789 = arith.constant 0 : i32
      %dma_start3A_790 = arith.constant 0 : i32
      %dma_start3A_791 = tpu.memref_slice %arg4[%add3A_744, %dma_start3A_789, %dma_start3A_790] : memref<4096x200x64xf32, #tpu.memory_space<hbm>> -> memref<1x200x64xf32, #tpu.memory_space<hbm>>
      %dma_start3A_792 = tpu.memref_squeeze %dma_start3A_791 : memref<1x200x64xf32, #tpu.memory_space<hbm>> -> memref<200x64xf32, #tpu.memory_space<hbm>>
      %dma_start3A_793 = arith.constant 0 : i32
      %dma_start3A_794 = arith.constant 0 : i32
      %dma_start3A_795 = tpu.memref_slice %arg4[%add3A_744, %dma_start3A_793, %dma_start3A_794] : memref<4096x200x64xf32, #tpu.memory_space<hbm>> -> memref<1x200x64xf32, #tpu.memory_space<hbm>>
      %dma_start3A_796 = tpu.memref_squeeze %dma_start3A_795 : memref<1x200x64xf32, #tpu.memory_space<hbm>> -> memref<200x64xf32, #tpu.memory_space<hbm>>
      %dma_start3A_797 = arith.constant 400 : i32
      %dma_start3A_798 = arith.constant 0 : i32
      %dma_start3A_799 = tpu.memref_slice %arg6[%dma_start3A_784, %dma_start3A_797, %dma_start3A_798] : memref<2x800x64xf32, #tpu.memory_space<vmem>> -> memref<1x200x64xf32, #tpu.memory_space<vmem>>
      %dma_start3A_800 = tpu.memref_squeeze %dma_start3A_799 : memref<1x200x64xf32, #tpu.memory_space<vmem>> -> memref<200x64xf32, #tpu.memory_space<vmem>>
      tpu.enqueue_dma source(%dma_start3A_800 : memref<200x64xf32, #tpu.memory_space<vmem>>) target(%dma_start3A_796 : memref<200x64xf32, #tpu.memory_space<hbm>>) target_semaphore(%arg9 : memref<!tpu.dma_semaphore, #tpu.memory_space<semaphore_mem>>)
      %dma_start3A_801 = arith.constant 0 : i32
      %dma_start3A_802 = arith.constant 600 : i32
      %dma_start3A_803 = arith.constant 0 : i32
      %dma_start3A_804 = tpu.memref_slice %arg6[%dma_start3A_801, %dma_start3A_802, %dma_start3A_803] : memref<2x800x64xf32, #tpu.memory_space<vmem>> -> memref<1x200x64xf32, #tpu.memory_space<vmem>>
      %dma_start3A_805 = tpu.memref_squeeze %dma_start3A_804 : memref<1x200x64xf32, #tpu.memory_space<vmem>> -> memref<200x64xf32, #tpu.memory_space<vmem>>
      %dma_start3A_806 = arith.constant 0 : i32
      %dma_start3A_807 = arith.constant 0 : i32
      %dma_start3A_808 = tpu.memref_slice %arg4[%add3A_749, %dma_start3A_806, %dma_start3A_807] : memref<4096x200x64xf32, #tpu.memory_space<hbm>> -> memref<1x200x64xf32, #tpu.memory_space<hbm>>
      %dma_start3A_809 = tpu.memref_squeeze %dma_start3A_808 : memref<1x200x64xf32, #tpu.memory_space<hbm>> -> memref<200x64xf32, #tpu.memory_space<hbm>>
      %dma_start3A_810 = arith.constant 0 : i32
      %dma_start3A_811 = arith.constant 0 : i32
      %dma_start3A_812 = tpu.memref_slice %arg4[%add3A_749, %dma_start3A_810, %dma_start3A_811] : memref<4096x200x64xf32, #tpu.memory_space<hbm>> -> memref<1x200x64xf32, #tpu.memory_space<hbm>>
      %dma_start3A_813 = tpu.memref_squeeze %dma_start3A_812 : memref<1x200x64xf32, #tpu.memory_space<hbm>> -> memref<200x64xf32, #tpu.memory_space<hbm>>
      %dma_start3A_814 = arith.constant 600 : i32
      %dma_start3A_815 = arith.constant 0 : i32
      %dma_start3A_816 = tpu.memref_slice %arg6[%dma_start3A_801, %dma_start3A_814, %dma_start3A_815] : memref<2x800x64xf32, #tpu.memory_space<vmem>> -> memref<1x200x64xf32, #tpu.memory_space<vmem>>
      %dma_start3A_817 = tpu.memref_squeeze %dma_start3A_816 : memref<1x200x64xf32, #tpu.memory_space<vmem>> -> memref<200x64xf32, #tpu.memory_space<vmem>>
      tpu.enqueue_dma source(%dma_start3A_817 : memref<200x64xf32, #tpu.memory_space<vmem>>) target(%dma_start3A_813 : memref<200x64xf32, #tpu.memory_space<hbm>>) target_semaphore(%arg9 : memref<!tpu.dma_semaphore, #tpu.memory_space<semaphore_mem>>)
    }
    %scan3A_130 = arith.constant 15 : i32
    %dma_wait3A_131 = arith.constant 1 : i32
    %dma_wait3A_132 = arith.constant 0 : i32
    %dma_wait3A_133 = arith.constant 0 : i32
    %dma_wait3A_134 = tpu.memref_slice %arg6[%dma_wait3A_131, %dma_wait3A_132, %dma_wait3A_133] : memref<2x800x64xf32, #tpu.memory_space<vmem>> -> memref<1x800x64xf32, #tpu.memory_space<vmem>>
    %dma_wait3A_135 = tpu.memref_squeeze %dma_wait3A_134 : memref<1x800x64xf32, #tpu.memory_space<vmem>> -> memref<800x64xf32, #tpu.memory_space<vmem>>
    %dma_wait3A_136 = arith.constant 0 : i32
    %dma_wait3A_137 = arith.constant 0 : i32
    %dma_wait3A_138 = tpu.memref_slice %arg3[%dma_wait3A_136, %dma_wait3A_137] : memref<1000000x64xf32, #tpu.memory_space<hbm>> -> memref<800x64xf32, #tpu.memory_space<hbm>>
    %dma_wait3A_139 = arith.constant 0 : i32
    %dma_wait3A_140 = arith.constant 0 : i32
    %dma_wait3A_141 = tpu.memref_slice %arg6[%dma_wait3A_131, %dma_wait3A_139, %dma_wait3A_140] : memref<2x800x64xf32, #tpu.memory_space<vmem>> -> memref<1x800x64xf32, #tpu.memory_space<vmem>>
    %dma_wait3A_142 = tpu.memref_squeeze %dma_wait3A_141 : memref<1x800x64xf32, #tpu.memory_space<vmem>> -> memref<800x64xf32, #tpu.memory_space<vmem>>
    %dma_wait3A_143 = arith.constant 0 : i32
    %dma_wait3A_144 = arith.constant 0 : i32
    %dma_wait3A_145 = tpu.memref_slice %arg3[%dma_wait3A_143, %dma_wait3A_144] : memref<1000000x64xf32, #tpu.memory_space<hbm>> -> memref<800x64xf32, #tpu.memory_space<hbm>>
    tpu.wait_dma2 semaphore(%arg8 : memref<!tpu.dma_semaphore, #tpu.memory_space<semaphore_mem>>) src(%dma_wait3A_145 : memref<800x64xf32, #tpu.memory_space<hbm>>) dst(%dma_wait3A_142 : memref<800x64xf32, #tpu.memory_space<vmem>>)
    %add3A_146 = arith.constant 124 : i32
    %add3A_147 = arith.addi %mul3A_2, %add3A_146 : i32
    %add3A_148 = arith.constant 0 : i32
    %add3A_149 = arith.addi %add3A_147, %add3A_148 : i32
    %add3A_150 = arith.constant 124 : i32
    %add3A_151 = arith.addi %mul3A_2, %add3A_150 : i32
    %add3A_152 = arith.constant 1 : i32
    %add3A_153 = arith.addi %add3A_151, %add3A_152 : i32
    %add3A_154 = arith.constant 124 : i32
    %add3A_155 = arith.addi %mul3A_2, %add3A_154 : i32
    %add3A_156 = arith.constant 2 : i32
    %add3A_157 = arith.addi %add3A_155, %add3A_156 : i32
    %add3A_158 = arith.constant 124 : i32
    %add3A_159 = arith.addi %mul3A_2, %add3A_158 : i32
    %add3A_160 = arith.constant 3 : i32
    %add3A_161 = arith.addi %add3A_159, %add3A_160 : i32
    %dma_start3A_162 = arith.constant 1 : i32
    %dma_start3A_163 = arith.constant 0 : i32
    %dma_start3A_164 = arith.constant 0 : i32
    %dma_start3A_165 = tpu.memref_slice %arg6[%dma_start3A_162, %dma_start3A_163, %dma_start3A_164] : memref<2x800x64xf32, #tpu.memory_space<vmem>> -> memref<1x200x64xf32, #tpu.memory_space<vmem>>
    %dma_start3A_166 = tpu.memref_squeeze %dma_start3A_165 : memref<1x200x64xf32, #tpu.memory_space<vmem>> -> memref<200x64xf32, #tpu.memory_space<vmem>>
    %dma_start3A_167 = arith.constant 0 : i32
    %dma_start3A_168 = arith.constant 0 : i32
    %dma_start3A_169 = tpu.memref_slice %arg4[%add3A_149, %dma_start3A_167, %dma_start3A_168] : memref<4096x200x64xf32, #tpu.memory_space<hbm>> -> memref<1x200x64xf32, #tpu.memory_space<hbm>>
    %dma_start3A_170 = tpu.memref_squeeze %dma_start3A_169 : memref<1x200x64xf32, #tpu.memory_space<hbm>> -> memref<200x64xf32, #tpu.memory_space<hbm>>
    %dma_start3A_171 = arith.constant 0 : i32
    %dma_start3A_172 = arith.constant 0 : i32
    %dma_start3A_173 = tpu.memref_slice %arg4[%add3A_149, %dma_start3A_171, %dma_start3A_172] : memref<4096x200x64xf32, #tpu.memory_space<hbm>> -> memref<1x200x64xf32, #tpu.memory_space<hbm>>
    %dma_start3A_174 = tpu.memref_squeeze %dma_start3A_173 : memref<1x200x64xf32, #tpu.memory_space<hbm>> -> memref<200x64xf32, #tpu.memory_space<hbm>>
    %dma_start3A_175 = arith.constant 0 : i32
    %dma_start3A_176 = arith.constant 0 : i32
    %dma_start3A_177 = tpu.memref_slice %arg6[%dma_start3A_162, %dma_start3A_175, %dma_start3A_176] : memref<2x800x64xf32, #tpu.memory_space<vmem>> -> memref<1x200x64xf32, #tpu.memory_space<vmem>>
    %dma_start3A_178 = tpu.memref_squeeze %dma_start3A_177 : memref<1x200x64xf32, #tpu.memory_space<vmem>> -> memref<200x64xf32, #tpu.memory_space<vmem>>
    tpu.enqueue_dma source(%dma_start3A_178 : memref<200x64xf32, #tpu.memory_space<vmem>>) target(%dma_start3A_174 : memref<200x64xf32, #tpu.memory_space<hbm>>) target_semaphore(%arg10 : memref<!tpu.dma_semaphore, #tpu.memory_space<semaphore_mem>>)
    %dma_start3A_179 = arith.constant 1 : i32
    %dma_start3A_180 = arith.constant 200 : i32
    %dma_start3A_181 = arith.constant 0 : i32
    %dma_start3A_182 = tpu.memref_slice %arg6[%dma_start3A_179, %dma_start3A_180, %dma_start3A_181] : memref<2x800x64xf32, #tpu.memory_space<vmem>> -> memref<1x200x64xf32, #tpu.memory_space<vmem>>
    %dma_start3A_183 = tpu.memref_squeeze %dma_start3A_182 : memref<1x200x64xf32, #tpu.memory_space<vmem>> -> memref<200x64xf32, #tpu.memory_space<vmem>>
    %dma_start3A_184 = arith.constant 0 : i32
    %dma_start3A_185 = arith.constant 0 : i32
    %dma_start3A_186 = tpu.memref_slice %arg4[%add3A_153, %dma_start3A_184, %dma_start3A_185] : memref<4096x200x64xf32, #tpu.memory_space<hbm>> -> memref<1x200x64xf32, #tpu.memory_space<hbm>>
    %dma_start3A_187 = tpu.memref_squeeze %dma_start3A_186 : memref<1x200x64xf32, #tpu.memory_space<hbm>> -> memref<200x64xf32, #tpu.memory_space<hbm>>
    %dma_start3A_188 = arith.constant 0 : i32
    %dma_start3A_189 = arith.constant 0 : i32
    %dma_start3A_190 = tpu.memref_slice %arg4[%add3A_153, %dma_start3A_188, %dma_start3A_189] : memref<4096x200x64xf32, #tpu.memory_space<hbm>> -> memref<1x200x64xf32, #tpu.memory_space<hbm>>
    %dma_start3A_191 = tpu.memref_squeeze %dma_start3A_190 : memref<1x200x64xf32, #tpu.memory_space<hbm>> -> memref<200x64xf32, #tpu.memory_space<hbm>>
    %dma_start3A_192 = arith.constant 200 : i32
    %dma_start3A_193 = arith.constant 0 : i32
    %dma_start3A_194 = tpu.memref_slice %arg6[%dma_start3A_179, %dma_start3A_192, %dma_start3A_193] : memref<2x800x64xf32, #tpu.memory_space<vmem>> -> memref<1x200x64xf32, #tpu.memory_space<vmem>>
    %dma_start3A_195 = tpu.memref_squeeze %dma_start3A_194 : memref<1x200x64xf32, #tpu.memory_space<vmem>> -> memref<200x64xf32, #tpu.memory_space<vmem>>
    tpu.enqueue_dma source(%dma_start3A_195 : memref<200x64xf32, #tpu.memory_space<vmem>>) target(%dma_start3A_191 : memref<200x64xf32, #tpu.memory_space<hbm>>) target_semaphore(%arg10 : memref<!tpu.dma_semaphore, #tpu.memory_space<semaphore_mem>>)
    %dma_start3A_196 = arith.constant 1 : i32
    %dma_start3A_197 = arith.constant 400 : i32
    %dma_start3A_198 = arith.constant 0 : i32
    %dma_start3A_199 = tpu.memref_slice %arg6[%dma_start3A_196, %dma_start3A_197, %dma_start3A_198] : memref<2x800x64xf32, #tpu.memory_space<vmem>> -> memref<1x200x64xf32, #tpu.memory_space<vmem>>
    %dma_start3A_200 = tpu.memref_squeeze %dma_start3A_199 : memref<1x200x64xf32, #tpu.memory_space<vmem>> -> memref<200x64xf32, #tpu.memory_space<vmem>>
    %dma_start3A_201 = arith.constant 0 : i32
    %dma_start3A_202 = arith.constant 0 : i32
    %dma_start3A_203 = tpu.memref_slice %arg4[%add3A_157, %dma_start3A_201, %dma_start3A_202] : memref<4096x200x64xf32, #tpu.memory_space<hbm>> -> memref<1x200x64xf32, #tpu.memory_space<hbm>>
    %dma_start3A_204 = tpu.memref_squeeze %dma_start3A_203 : memref<1x200x64xf32, #tpu.memory_space<hbm>> -> memref<200x64xf32, #tpu.memory_space<hbm>>
    %dma_start3A_205 = arith.constant 0 : i32
    %dma_start3A_206 = arith.constant 0 : i32
    %dma_start3A_207 = tpu.memref_slice %arg4[%add3A_157, %dma_start3A_205, %dma_start3A_206] : memref<4096x200x64xf32, #tpu.memory_space<hbm>> -> memref<1x200x64xf32, #tpu.memory_space<hbm>>
    %dma_start3A_208 = tpu.memref_squeeze %dma_start3A_207 : memref<1x200x64xf32, #tpu.memory_space<hbm>> -> memref<200x64xf32, #tpu.memory_space<hbm>>
    %dma_start3A_209 = arith.constant 400 : i32
    %dma_start3A_210 = arith.constant 0 : i32
    %dma_start3A_211 = tpu.memref_slice %arg6[%dma_start3A_196, %dma_start3A_209, %dma_start3A_210] : memref<2x800x64xf32, #tpu.memory_space<vmem>> -> memref<1x200x64xf32, #tpu.memory_space<vmem>>
    %dma_start3A_212 = tpu.memref_squeeze %dma_start3A_211 : memref<1x200x64xf32, #tpu.memory_space<vmem>> -> memref<200x64xf32, #tpu.memory_space<vmem>>
    tpu.enqueue_dma source(%dma_start3A_212 : memref<200x64xf32, #tpu.memory_space<vmem>>) target(%dma_start3A_208 : memref<200x64xf32, #tpu.memory_space<hbm>>) target_semaphore(%arg10 : memref<!tpu.dma_semaphore, #tpu.memory_space<semaphore_mem>>)
    %dma_start3A_213 = arith.constant 1 : i32
    %dma_start3A_214 = arith.constant 600 : i32
    %dma_start3A_215 = arith.constant 0 : i32
    %dma_start3A_216 = tpu.memref_slice %arg6[%dma_start3A_213, %dma_start3A_214, %dma_start3A_215] : memref<2x800x64xf32, #tpu.memory_space<vmem>> -> memref<1x200x64xf32, #tpu.memory_space<vmem>>
    %dma_start3A_217 = tpu.memref_squeeze %dma_start3A_216 : memref<1x200x64xf32, #tpu.memory_space<vmem>> -> memref<200x64xf32, #tpu.memory_space<vmem>>
    %dma_start3A_218 = arith.constant 0 : i32
    %dma_start3A_219 = arith.constant 0 : i32
    %dma_start3A_220 = tpu.memref_slice %arg4[%add3A_161, %dma_start3A_218, %dma_start3A_219] : memref<4096x200x64xf32, #tpu.memory_space<hbm>> -> memref<1x200x64xf32, #tpu.memory_space<hbm>>
    %dma_start3A_221 = tpu.memref_squeeze %dma_start3A_220 : memref<1x200x64xf32, #tpu.memory_space<hbm>> -> memref<200x64xf32, #tpu.memory_space<hbm>>
    %dma_start3A_222 = arith.constant 0 : i32
    %dma_start3A_223 = arith.constant 0 : i32
    %dma_start3A_224 = tpu.memref_slice %arg4[%add3A_161, %dma_start3A_222, %dma_start3A_223] : memref<4096x200x64xf32, #tpu.memory_space<hbm>> -> memref<1x200x64xf32, #tpu.memory_space<hbm>>
    %dma_start3A_225 = tpu.memref_squeeze %dma_start3A_224 : memref<1x200x64xf32, #tpu.memory_space<hbm>> -> memref<200x64xf32, #tpu.memory_space<hbm>>
    %dma_start3A_226 = arith.constant 600 : i32
    %dma_start3A_227 = arith.constant 0 : i32
    %dma_start3A_228 = tpu.memref_slice %arg6[%dma_start3A_213, %dma_start3A_226, %dma_start3A_227] : memref<2x800x64xf32, #tpu.memory_space<vmem>> -> memref<1x200x64xf32, #tpu.memory_space<vmem>>
    %dma_start3A_229 = tpu.memref_squeeze %dma_start3A_228 : memref<1x200x64xf32, #tpu.memory_space<vmem>> -> memref<200x64xf32, #tpu.memory_space<vmem>>
    tpu.enqueue_dma source(%dma_start3A_229 : memref<200x64xf32, #tpu.memory_space<vmem>>) target(%dma_start3A_225 : memref<200x64xf32, #tpu.memory_space<hbm>>) target_semaphore(%arg10 : memref<!tpu.dma_semaphore, #tpu.memory_space<semaphore_mem>>)
    %add3A_230 = arith.constant 120 : i32
    %add3A_231 = arith.addi %mul3A_2, %add3A_230 : i32
    %add3A_232 = arith.constant 0 : i32
    %add3A_233 = arith.addi %add3A_231, %add3A_232 : i32
    %add3A_234 = arith.constant 120 : i32
    %add3A_235 = arith.addi %mul3A_2, %add3A_234 : i32
    %add3A_236 = arith.constant 1 : i32
    %add3A_237 = arith.addi %add3A_235, %add3A_236 : i32
    %add3A_238 = arith.constant 120 : i32
    %add3A_239 = arith.addi %mul3A_2, %add3A_238 : i32
    %add3A_240 = arith.constant 2 : i32
    %add3A_241 = arith.addi %add3A_239, %add3A_240 : i32
    %add3A_242 = arith.constant 120 : i32
    %add3A_243 = arith.addi %mul3A_2, %add3A_242 : i32
    %add3A_244 = arith.constant 3 : i32
    %add3A_245 = arith.addi %add3A_243, %add3A_244 : i32
    %dma_wait3A_246 = arith.constant 0 : i32
    %dma_wait3A_247 = arith.constant 0 : i32
    %dma_wait3A_248 = arith.constant 0 : i32
    %dma_wait3A_249 = tpu.memref_slice %arg6[%dma_wait3A_246, %dma_wait3A_247, %dma_wait3A_248] : memref<2x800x64xf32, #tpu.memory_space<vmem>> -> memref<1x200x64xf32, #tpu.memory_space<vmem>>
    %dma_wait3A_250 = tpu.memref_squeeze %dma_wait3A_249 : memref<1x200x64xf32, #tpu.memory_space<vmem>> -> memref<200x64xf32, #tpu.memory_space<vmem>>
    %dma_wait3A_251 = arith.constant 0 : i32
    %dma_wait3A_252 = arith.constant 0 : i32
    %dma_wait3A_253 = tpu.memref_slice %arg4[%add3A_233, %dma_wait3A_251, %dma_wait3A_252] : memref<4096x200x64xf32, #tpu.memory_space<hbm>> -> memref<1x200x64xf32, #tpu.memory_space<hbm>>
    %dma_wait3A_254 = tpu.memref_squeeze %dma_wait3A_253 : memref<1x200x64xf32, #tpu.memory_space<hbm>> -> memref<200x64xf32, #tpu.memory_space<hbm>>
    %dma_wait3A_255 = arith.constant 0 : i32
    %dma_wait3A_256 = arith.constant 0 : i32
    %dma_wait3A_257 = tpu.memref_slice %arg4[%add3A_233, %dma_wait3A_255, %dma_wait3A_256] : memref<4096x200x64xf32, #tpu.memory_space<hbm>> -> memref<1x200x64xf32, #tpu.memory_space<hbm>>
    %dma_wait3A_258 = tpu.memref_squeeze %dma_wait3A_257 : memref<1x200x64xf32, #tpu.memory_space<hbm>> -> memref<200x64xf32, #tpu.memory_space<hbm>>
    %dma_wait3A_259 = arith.constant 0 : i32
    %dma_wait3A_260 = arith.constant 0 : i32
    %dma_wait3A_261 = tpu.memref_slice %arg6[%dma_wait3A_246, %dma_wait3A_259, %dma_wait3A_260] : memref<2x800x64xf32, #tpu.memory_space<vmem>> -> memref<1x200x64xf32, #tpu.memory_space<vmem>>
    %dma_wait3A_262 = tpu.memref_squeeze %dma_wait3A_261 : memref<1x200x64xf32, #tpu.memory_space<vmem>> -> memref<200x64xf32, #tpu.memory_space<vmem>>
    tpu.wait_dma2 semaphore(%arg9 : memref<!tpu.dma_semaphore, #tpu.memory_space<semaphore_mem>>) src(%dma_wait3A_262 : memref<200x64xf32, #tpu.memory_space<vmem>>) dst(%dma_wait3A_258 : memref<200x64xf32, #tpu.memory_space<hbm>>)
    %dma_wait3A_263 = arith.constant 0 : i32
    %dma_wait3A_264 = arith.constant 200 : i32
    %dma_wait3A_265 = arith.constant 0 : i32
    %dma_wait3A_266 = tpu.memref_slice %arg6[%dma_wait3A_263, %dma_wait3A_264, %dma_wait3A_265] : memref<2x800x64xf32, #tpu.memory_space<vmem>> -> memref<1x200x64xf32, #tpu.memory_space<vmem>>
    %dma_wait3A_267 = tpu.memref_squeeze %dma_wait3A_266 : memref<1x200x64xf32, #tpu.memory_space<vmem>> -> memref<200x64xf32, #tpu.memory_space<vmem>>
    %dma_wait3A_268 = arith.constant 0 : i32
    %dma_wait3A_269 = arith.constant 0 : i32
    %dma_wait3A_270 = tpu.memref_slice %arg4[%add3A_237, %dma_wait3A_268, %dma_wait3A_269] : memref<4096x200x64xf32, #tpu.memory_space<hbm>> -> memref<1x200x64xf32, #tpu.memory_space<hbm>>
    %dma_wait3A_271 = tpu.memref_squeeze %dma_wait3A_270 : memref<1x200x64xf32, #tpu.memory_space<hbm>> -> memref<200x64xf32, #tpu.memory_space<hbm>>
    %dma_wait3A_272 = arith.constant 0 : i32
    %dma_wait3A_273 = arith.constant 0 : i32
    %dma_wait3A_274 = tpu.memref_slice %arg4[%add3A_237, %dma_wait3A_272, %dma_wait3A_273] : memref<4096x200x64xf32, #tpu.memory_space<hbm>> -> memref<1x200x64xf32, #tpu.memory_space<hbm>>
    %dma_wait3A_275 = tpu.memref_squeeze %dma_wait3A_274 : memref<1x200x64xf32, #tpu.memory_space<hbm>> -> memref<200x64xf32, #tpu.memory_space<hbm>>
    %dma_wait3A_276 = arith.constant 200 : i32
    %dma_wait3A_277 = arith.constant 0 : i32
    %dma_wait3A_278 = tpu.memref_slice %arg6[%dma_wait3A_263, %dma_wait3A_276, %dma_wait3A_277] : memref<2x800x64xf32, #tpu.memory_space<vmem>> -> memref<1x200x64xf32, #tpu.memory_space<vmem>>
    %dma_wait3A_279 = tpu.memref_squeeze %dma_wait3A_278 : memref<1x200x64xf32, #tpu.memory_space<vmem>> -> memref<200x64xf32, #tpu.memory_space<vmem>>
    tpu.wait_dma2 semaphore(%arg9 : memref<!tpu.dma_semaphore, #tpu.memory_space<semaphore_mem>>) src(%dma_wait3A_279 : memref<200x64xf32, #tpu.memory_space<vmem>>) dst(%dma_wait3A_275 : memref<200x64xf32, #tpu.memory_space<hbm>>)
    %dma_wait3A_280 = arith.constant 0 : i32
    %dma_wait3A_281 = arith.constant 400 : i32
    %dma_wait3A_282 = arith.constant 0 : i32
    %dma_wait3A_283 = tpu.memref_slice %arg6[%dma_wait3A_280, %dma_wait3A_281, %dma_wait3A_282] : memref<2x800x64xf32, #tpu.memory_space<vmem>> -> memref<1x200x64xf32, #tpu.memory_space<vmem>>
    %dma_wait3A_284 = tpu.memref_squeeze %dma_wait3A_283 : memref<1x200x64xf32, #tpu.memory_space<vmem>> -> memref<200x64xf32, #tpu.memory_space<vmem>>
    %dma_wait3A_285 = arith.constant 0 : i32
    %dma_wait3A_286 = arith.constant 0 : i32
    %dma_wait3A_287 = tpu.memref_slice %arg4[%add3A_241, %dma_wait3A_285, %dma_wait3A_286] : memref<4096x200x64xf32, #tpu.memory_space<hbm>> -> memref<1x200x64xf32, #tpu.memory_space<hbm>>
    %dma_wait3A_288 = tpu.memref_squeeze %dma_wait3A_287 : memref<1x200x64xf32, #tpu.memory_space<hbm>> -> memref<200x64xf32, #tpu.memory_space<hbm>>
    %dma_wait3A_289 = arith.constant 0 : i32
    %dma_wait3A_290 = arith.constant 0 : i32
    %dma_wait3A_291 = tpu.memref_slice %arg4[%add3A_241, %dma_wait3A_289, %dma_wait3A_290] : memref<4096x200x64xf32, #tpu.memory_space<hbm>> -> memref<1x200x64xf32, #tpu.memory_space<hbm>>
    %dma_wait3A_292 = tpu.memref_squeeze %dma_wait3A_291 : memref<1x200x64xf32, #tpu.memory_space<hbm>> -> memref<200x64xf32, #tpu.memory_space<hbm>>
    %dma_wait3A_293 = arith.constant 400 : i32
    %dma_wait3A_294 = arith.constant 0 : i32
    %dma_wait3A_295 = tpu.memref_slice %arg6[%dma_wait3A_280, %dma_wait3A_293, %dma_wait3A_294] : memref<2x800x64xf32, #tpu.memory_space<vmem>> -> memref<1x200x64xf32, #tpu.memory_space<vmem>>
    %dma_wait3A_296 = tpu.memref_squeeze %dma_wait3A_295 : memref<1x200x64xf32, #tpu.memory_space<vmem>> -> memref<200x64xf32, #tpu.memory_space<vmem>>
    tpu.wait_dma2 semaphore(%arg9 : memref<!tpu.dma_semaphore, #tpu.memory_space<semaphore_mem>>) src(%dma_wait3A_296 : memref<200x64xf32, #tpu.memory_space<vmem>>) dst(%dma_wait3A_292 : memref<200x64xf32, #tpu.memory_space<hbm>>)
    %dma_wait3A_297 = arith.constant 0 : i32
    %dma_wait3A_298 = arith.constant 600 : i32
    %dma_wait3A_299 = arith.constant 0 : i32
    %dma_wait3A_300 = tpu.memref_slice %arg6[%dma_wait3A_297, %dma_wait3A_298, %dma_wait3A_299] : memref<2x800x64xf32, #tpu.memory_space<vmem>> -> memref<1x200x64xf32, #tpu.memory_space<vmem>>
    %dma_wait3A_301 = tpu.memref_squeeze %dma_wait3A_300 : memref<1x200x64xf32, #tpu.memory_space<vmem>> -> memref<200x64xf32, #tpu.memory_space<vmem>>
    %dma_wait3A_302 = arith.constant 0 : i32
    %dma_wait3A_303 = arith.constant 0 : i32
    %dma_wait3A_304 = tpu.memref_slice %arg4[%add3A_245, %dma_wait3A_302, %dma_wait3A_303] : memref<4096x200x64xf32, #tpu.memory_space<hbm>> -> memref<1x200x64xf32, #tpu.memory_space<hbm>>
    %dma_wait3A_305 = tpu.memref_squeeze %dma_wait3A_304 : memref<1x200x64xf32, #tpu.memory_space<hbm>> -> memref<200x64xf32, #tpu.memory_space<hbm>>
    %dma_wait3A_306 = arith.constant 0 : i32
    %dma_wait3A_307 = arith.constant 0 : i32
    %dma_wait3A_308 = tpu.memref_slice %arg4[%add3A_245, %dma_wait3A_306, %dma_wait3A_307] : memref<4096x200x64xf32, #tpu.memory_space<hbm>> -> memref<1x200x64xf32, #tpu.memory_space<hbm>>
    %dma_wait3A_309 = tpu.memref_squeeze %dma_wait3A_308 : memref<1x200x64xf32, #tpu.memory_space<hbm>> -> memref<200x64xf32, #tpu.memory_space<hbm>>
    %dma_wait3A_310 = arith.constant 600 : i32
    %dma_wait3A_311 = arith.constant 0 : i32
    %dma_wait3A_312 = tpu.memref_slice %arg6[%dma_wait3A_297, %dma_wait3A_310, %dma_wait3A_311] : memref<2x800x64xf32, #tpu.memory_space<vmem>> -> memref<1x200x64xf32, #tpu.memory_space<vmem>>
    %dma_wait3A_313 = tpu.memref_squeeze %dma_wait3A_312 : memref<1x200x64xf32, #tpu.memory_space<vmem>> -> memref<200x64xf32, #tpu.memory_space<vmem>>
    tpu.wait_dma2 semaphore(%arg9 : memref<!tpu.dma_semaphore, #tpu.memory_space<semaphore_mem>>) src(%dma_wait3A_313 : memref<200x64xf32, #tpu.memory_space<vmem>>) dst(%dma_wait3A_309 : memref<200x64xf32, #tpu.memory_space<hbm>>)
    %add3A_314 = arith.constant 124 : i32
    %add3A_315 = arith.addi %mul3A_2, %add3A_314 : i32
    %add3A_316 = arith.constant 0 : i32
    %add3A_317 = arith.addi %add3A_315, %add3A_316 : i32
    %add3A_318 = arith.constant 124 : i32
    %add3A_319 = arith.addi %mul3A_2, %add3A_318 : i32
    %add3A_320 = arith.constant 1 : i32
    %add3A_321 = arith.addi %add3A_319, %add3A_320 : i32
    %add3A_322 = arith.constant 124 : i32
    %add3A_323 = arith.addi %mul3A_2, %add3A_322 : i32
    %add3A_324 = arith.constant 2 : i32
    %add3A_325 = arith.addi %add3A_323, %add3A_324 : i32
    %add3A_326 = arith.constant 124 : i32
    %add3A_327 = arith.addi %mul3A_2, %add3A_326 : i32
    %add3A_328 = arith.constant 3 : i32
    %add3A_329 = arith.addi %add3A_327, %add3A_328 : i32
    %dma_wait3A_330 = arith.constant 1 : i32
    %dma_wait3A_331 = arith.constant 0 : i32
    %dma_wait3A_332 = arith.constant 0 : i32
    %dma_wait3A_333 = tpu.memref_slice %arg6[%dma_wait3A_330, %dma_wait3A_331, %dma_wait3A_332] : memref<2x800x64xf32, #tpu.memory_space<vmem>> -> memref<1x200x64xf32, #tpu.memory_space<vmem>>
    %dma_wait3A_334 = tpu.memref_squeeze %dma_wait3A_333 : memref<1x200x64xf32, #tpu.memory_space<vmem>> -> memref<200x64xf32, #tpu.memory_space<vmem>>
    %dma_wait3A_335 = arith.constant 0 : i32
    %dma_wait3A_336 = arith.constant 0 : i32
    %dma_wait3A_337 = tpu.memref_slice %arg4[%add3A_317, %dma_wait3A_335, %dma_wait3A_336] : memref<4096x200x64xf32, #tpu.memory_space<hbm>> -> memref<1x200x64xf32, #tpu.memory_space<hbm>>
    %dma_wait3A_338 = tpu.memref_squeeze %dma_wait3A_337 : memref<1x200x64xf32, #tpu.memory_space<hbm>> -> memref<200x64xf32, #tpu.memory_space<hbm>>
    %dma_wait3A_339 = arith.constant 0 : i32
    %dma_wait3A_340 = arith.constant 0 : i32
    %dma_wait3A_341 = tpu.memref_slice %arg4[%add3A_317, %dma_wait3A_339, %dma_wait3A_340] : memref<4096x200x64xf32, #tpu.memory_space<hbm>> -> memref<1x200x64xf32, #tpu.memory_space<hbm>>
    %dma_wait3A_342 = tpu.memref_squeeze %dma_wait3A_341 : memref<1x200x64xf32, #tpu.memory_space<hbm>> -> memref<200x64xf32, #tpu.memory_space<hbm>>
    %dma_wait3A_343 = arith.constant 0 : i32
    %dma_wait3A_344 = arith.constant 0 : i32
    %dma_wait3A_345 = tpu.memref_slice %arg6[%dma_wait3A_330, %dma_wait3A_343, %dma_wait3A_344] : memref<2x800x64xf32, #tpu.memory_space<vmem>> -> memref<1x200x64xf32, #tpu.memory_space<vmem>>
    %dma_wait3A_346 = tpu.memref_squeeze %dma_wait3A_345 : memref<1x200x64xf32, #tpu.memory_space<vmem>> -> memref<200x64xf32, #tpu.memory_space<vmem>>
    tpu.wait_dma2 semaphore(%arg10 : memref<!tpu.dma_semaphore, #tpu.memory_space<semaphore_mem>>) src(%dma_wait3A_346 : memref<200x64xf32, #tpu.memory_space<vmem>>) dst(%dma_wait3A_342 : memref<200x64xf32, #tpu.memory_space<hbm>>)
    %dma_wait3A_347 = arith.constant 1 : i32
    %dma_wait3A_348 = arith.constant 200 : i32
    %dma_wait3A_349 = arith.constant 0 : i32
    %dma_wait3A_350 = tpu.memref_slice %arg6[%dma_wait3A_347, %dma_wait3A_348, %dma_wait3A_349] : memref<2x800x64xf32, #tpu.memory_space<vmem>> -> memref<1x200x64xf32, #tpu.memory_space<vmem>>
    %dma_wait3A_351 = tpu.memref_squeeze %dma_wait3A_350 : memref<1x200x64xf32, #tpu.memory_space<vmem>> -> memref<200x64xf32, #tpu.memory_space<vmem>>
    %dma_wait3A_352 = arith.constant 0 : i32
    %dma_wait3A_353 = arith.constant 0 : i32
    %dma_wait3A_354 = tpu.memref_slice %arg4[%add3A_321, %dma_wait3A_352, %dma_wait3A_353] : memref<4096x200x64xf32, #tpu.memory_space<hbm>> -> memref<1x200x64xf32, #tpu.memory_space<hbm>>
    %dma_wait3A_355 = tpu.memref_squeeze %dma_wait3A_354 : memref<1x200x64xf32, #tpu.memory_space<hbm>> -> memref<200x64xf32, #tpu.memory_space<hbm>>
    %dma_wait3A_356 = arith.constant 0 : i32
    %dma_wait3A_357 = arith.constant 0 : i32
    %dma_wait3A_358 = tpu.memref_slice %arg4[%add3A_321, %dma_wait3A_356, %dma_wait3A_357] : memref<4096x200x64xf32, #tpu.memory_space<hbm>> -> memref<1x200x64xf32, #tpu.memory_space<hbm>>
    %dma_wait3A_359 = tpu.memref_squeeze %dma_wait3A_358 : memref<1x200x64xf32, #tpu.memory_space<hbm>> -> memref<200x64xf32, #tpu.memory_space<hbm>>
    %dma_wait3A_360 = arith.constant 200 : i32
    %dma_wait3A_361 = arith.constant 0 : i32
    %dma_wait3A_362 = tpu.memref_slice %arg6[%dma_wait3A_347, %dma_wait3A_360, %dma_wait3A_361] : memref<2x800x64xf32, #tpu.memory_space<vmem>> -> memref<1x200x64xf32, #tpu.memory_space<vmem>>
    %dma_wait3A_363 = tpu.memref_squeeze %dma_wait3A_362 : memref<1x200x64xf32, #tpu.memory_space<vmem>> -> memref<200x64xf32, #tpu.memory_space<vmem>>
    tpu.wait_dma2 semaphore(%arg10 : memref<!tpu.dma_semaphore, #tpu.memory_space<semaphore_mem>>) src(%dma_wait3A_363 : memref<200x64xf32, #tpu.memory_space<vmem>>) dst(%dma_wait3A_359 : memref<200x64xf32, #tpu.memory_space<hbm>>)
    %dma_wait3A_364 = arith.constant 1 : i32
    %dma_wait3A_365 = arith.constant 400 : i32
    %dma_wait3A_366 = arith.constant 0 : i32
    %dma_wait3A_367 = tpu.memref_slice %arg6[%dma_wait3A_364, %dma_wait3A_365, %dma_wait3A_366] : memref<2x800x64xf32, #tpu.memory_space<vmem>> -> memref<1x200x64xf32, #tpu.memory_space<vmem>>
    %dma_wait3A_368 = tpu.memref_squeeze %dma_wait3A_367 : memref<1x200x64xf32, #tpu.memory_space<vmem>> -> memref<200x64xf32, #tpu.memory_space<vmem>>
    %dma_wait3A_369 = arith.constant 0 : i32
    %dma_wait3A_370 = arith.constant 0 : i32
    %dma_wait3A_371 = tpu.memref_slice %arg4[%add3A_325, %dma_wait3A_369, %dma_wait3A_370] : memref<4096x200x64xf32, #tpu.memory_space<hbm>> -> memref<1x200x64xf32, #tpu.memory_space<hbm>>
    %dma_wait3A_372 = tpu.memref_squeeze %dma_wait3A_371 : memref<1x200x64xf32, #tpu.memory_space<hbm>> -> memref<200x64xf32, #tpu.memory_space<hbm>>
    %dma_wait3A_373 = arith.constant 0 : i32
    %dma_wait3A_374 = arith.constant 0 : i32
    %dma_wait3A_375 = tpu.memref_slice %arg4[%add3A_325, %dma_wait3A_373, %dma_wait3A_374] : memref<4096x200x64xf32, #tpu.memory_space<hbm>> -> memref<1x200x64xf32, #tpu.memory_space<hbm>>
    %dma_wait3A_376 = tpu.memref_squeeze %dma_wait3A_375 : memref<1x200x64xf32, #tpu.memory_space<hbm>> -> memref<200x64xf32, #tpu.memory_space<hbm>>
    %dma_wait3A_377 = arith.constant 400 : i32
    %dma_wait3A_378 = arith.constant 0 : i32
    %dma_wait3A_379 = tpu.memref_slice %arg6[%dma_wait3A_364, %dma_wait3A_377, %dma_wait3A_378] : memref<2x800x64xf32, #tpu.memory_space<vmem>> -> memref<1x200x64xf32, #tpu.memory_space<vmem>>
    %dma_wait3A_380 = tpu.memref_squeeze %dma_wait3A_379 : memref<1x200x64xf32, #tpu.memory_space<vmem>> -> memref<200x64xf32, #tpu.memory_space<vmem>>
    tpu.wait_dma2 semaphore(%arg10 : memref<!tpu.dma_semaphore, #tpu.memory_space<semaphore_mem>>) src(%dma_wait3A_380 : memref<200x64xf32, #tpu.memory_space<vmem>>) dst(%dma_wait3A_376 : memref<200x64xf32, #tpu.memory_space<hbm>>)
    %dma_wait3A_381 = arith.constant 1 : i32
    %dma_wait3A_382 = arith.constant 600 : i32
    %dma_wait3A_383 = arith.constant 0 : i32
    %dma_wait3A_384 = tpu.memref_slice %arg6[%dma_wait3A_381, %dma_wait3A_382, %dma_wait3A_383] : memref<2x800x64xf32, #tpu.memory_space<vmem>> -> memref<1x200x64xf32, #tpu.memory_space<vmem>>
    %dma_wait3A_385 = tpu.memref_squeeze %dma_wait3A_384 : memref<1x200x64xf32, #tpu.memory_space<vmem>> -> memref<200x64xf32, #tpu.memory_space<vmem>>
    %dma_wait3A_386 = arith.constant 0 : i32
    %dma_wait3A_387 = arith.constant 0 : i32
    %dma_wait3A_388 = tpu.memref_slice %arg4[%add3A_329, %dma_wait3A_386, %dma_wait3A_387] : memref<4096x200x64xf32, #tpu.memory_space<hbm>> -> memref<1x200x64xf32, #tpu.memory_space<hbm>>
    %dma_wait3A_389 = tpu.memref_squeeze %dma_wait3A_388 : memref<1x200x64xf32, #tpu.memory_space<hbm>> -> memref<200x64xf32, #tpu.memory_space<hbm>>
    %dma_wait3A_390 = arith.constant 0 : i32
    %dma_wait3A_391 = arith.constant 0 : i32
    %dma_wait3A_392 = tpu.memref_slice %arg4[%add3A_329, %dma_wait3A_390, %dma_wait3A_391] : memref<4096x200x64xf32, #tpu.memory_space<hbm>> -> memref<1x200x64xf32, #tpu.memory_space<hbm>>
    %dma_wait3A_393 = tpu.memref_squeeze %dma_wait3A_392 : memref<1x200x64xf32, #tpu.memory_space<hbm>> -> memref<200x64xf32, #tpu.memory_space<hbm>>
    %dma_wait3A_394 = arith.constant 600 : i32
    %dma_wait3A_395 = arith.constant 0 : i32
    %dma_wait3A_396 = tpu.memref_slice %arg6[%dma_wait3A_381, %dma_wait3A_394, %dma_wait3A_395] : memref<2x800x64xf32, #tpu.memory_space<vmem>> -> memref<1x200x64xf32, #tpu.memory_space<vmem>>
    %dma_wait3A_397 = tpu.memref_squeeze %dma_wait3A_396 : memref<1x200x64xf32, #tpu.memory_space<vmem>> -> memref<200x64xf32, #tpu.memory_space<vmem>>
    tpu.wait_dma2 semaphore(%arg10 : memref<!tpu.dma_semaphore, #tpu.memory_space<semaphore_mem>>) src(%dma_wait3A_397 : memref<200x64xf32, #tpu.memory_space<vmem>>) dst(%dma_wait3A_393 : memref<200x64xf32, #tpu.memory_space<hbm>>)
    return
  }
}

</mosaic_0001>

<sc_bundles>
// kernel: kernel.3.cloned.1.call-start
scs
__scs_entry_jumppad:
0x0: {  	(pc) =	sbr.rel $0x88, $3  }
0x1: {  	(tag) =	ssettag $0x0;
	lr =	simm.s32 $0x1  }
0x2: {  	[smem:$0x3F9F] =	sst lr;
	_ =	strace $0xD0000000  }
0x3: {  	_ = 	snop  }
0x4: {  	_ = 	snop  }
0x5: {  	_ = 	snop  }
0x6: {  	_ = 	snop  }
0x7: {  	_ = 	snop  }
__scs_overlays_trampoline_lowered:
0x8: {  	[smem:$0x3FAE] =	sst s0  }
0x9: {  	[smem:$0x3FAF] =	sst s1  }
0xa: {  	[smem:$0x3FB0] =	sst s2  }
0xb: {  	[smem:$0x3FB1] =	sst s3  }
0xc: {  	[smem:$0x3FB2] =	sst s4  }
0xd: {  	[smem:$0x3FB3] =	sst s5  }
0xe: {  	[smem:$0x3FB4] =	sst s6  }
0xf: {  	[smem:$0x3FB5] =	sst s7  }
0x10: {  	[smem:$0x3FB6] =	sst s8  }
0x11: {  	[smem:$0x3FB7] =	sst s9;
	s0 =	simm.s32 @!p0 $0x0  }
0x12: {  	s1 =	sld [smem:$0x3F9D];
	s0 =	simm.s32 @p0 $0x1  }
0x13: {  	[smem:$0x3FB8] =	sst s0;
	s0 =	simm.s32 @!p1 $0x0  }
0x14: {  	s2 =	sld [smem:$0x3F9C];
	s0 =	simm.s32 @p1 $0x1  }
0x15: {  	[smem:$0x3FB9] =	sst s0;
	s0 =	simm.s32 @!p2 $0x0  }
0x16: {  	s3 =	sld [smem:$0x3FDB];
	s0 =	simm.s32 @p2 $0x1  }
0x17: {  	s4 =	simm.s32 $0x1BF5;
	[smem:$0x3FBB] =	sst s0  }
0x18: {  	s0 =	sld [smem:$0x3F9E];
	_ =	swait.ge [sflag:s4], $0x0  }
0x19: {  	s7 =	sld [smem:$0x3F9F]  }
0x1a: {  	s8 =	sadd.s32 $0xFFFFE003, lr  }
0x1b: {  	s9 =	sadd.s32 $0xFFFFFEF7, lr;
	s5 =	simm.s32 $0xFFFFFFFF;
	p2 =	slt.u32 s8, $0xFFFFF086  }
0x1c: {  	p1 =	slt.u32 s9, $0xF7A;
	s5 =	simm.s32 @!p2 $0x0  }
0x1d: {  	s5 =	simm.s32 @p1 $0x1;
	p0 =	seq.s32 s7, s2  }
0x1e: {  	s7 =	smul.u32 @!p0 $0xF7A, s2;
	p2 =	seq.s32 @!p0 s5, $0x0  }
0x1f: {  	s9 =	smul.u32 $0xF7A, s1;
	s8 =	simm.s32 @!p0 $0x1BF5;
	p2 =	por !p2, p0  }
0x20: {  	[sflag:s8] =	ssyncset.s32 @!p0 $0xFFFFF086;
	s6 =	sadd.s32 @!p0 s3, s7;
	s7 =	simm.s32 @!p0 $0x108  }
0x21: {  	s3 =	sadd.s32 s3, s9;
	s6 =	sadd.s32 @!p0 $0x88, s6;
	s7 =	simm.s32 @p2 $0x1082  }
0x22: {  	[simem:s7], [sflag:s8] =	dma.local @!p0 [hbm:s6], $0xF7A  }
0x23: {  	s9 =	sor.u32 $0xD0000000, s2;
	s6 =	simm.s32 $0x108;
	_ =	swait.ge @!p0 [sflag:s8], $0x0  }
0x24: {  	s3 =	sadd.s32 $0x88, s3;
	s6 =	simm.s32 @!p1 $0x1082;
	[sflag:s4] =	ssyncset.s32 $0xFFFFF086  }
0x25: {  	[simem:s6], [sflag:s4] =	dma.local [hbm:s3], $0xF7A  }
0x26: {  	[smem:$0x3F9F] =	sst s1;
	(tag) =	ssettag s2;
	_ =	strace s9  }
0x27: {  	s1 =	sld [smem:$0x3FAF]  }
0x28: {  	s2 =	sld [smem:$0x3FB0]  }
0x29: {  	s4 =	sld [smem:$0x3FB2]  }
0x2a: {  	p0 =	seq.s32 s5, $0x0;
	s5 =	sld [smem:$0x3FB3]  }
0x2b: {  	s6 =	sld [smem:$0x3FB4]  }
0x2c: {  	s7 =	sld [smem:$0x3FB5]  }
0x2d: {  	s3 =	simm.s32 $0x108;
	s8 =	sld [smem:$0x3FB6]  }
0x2e: {  	s3 =	simm.s32 @!p0 $0x1082;
	s9 =	sld [smem:$0x3FB7]  }
0x2f: {  	lr =	sadd.s32 s0, s3;
	s0 =	sld [smem:$0x3FAE]  }
0x30: {  	s3 =	sld [smem:$0x3FB1]  }
0x31: {  	[smem:$0x3FBA] =	sst s10  }
0x32: {  	s10 =	sld [smem:$0x3FB8];
	_ =	sdelay $0x3  }
0x33: {  	p0 =	seq.s32 s10, $0x1;
	s10 =	sld [smem:$0x3FBA];
	_ =	sdelay $0x3  }
0x34: {  	[smem:$0x3FBA] =	sst s10  }
0x35: {  	s10 =	sld [smem:$0x3FB9];
	_ =	sdelay $0x3  }
0x36: {  	p1 =	seq.s32 s10, $0x1;
	s10 =	sld [smem:$0x3FBA];
	_ =	sdelay $0x3  }
0x37: {  	[smem:$0x3FBA] =	sst s10  }
0x38: {  	s10 =	sld [smem:$0x3FBB]  }
0x39: {  	_ = 	snop;
	(pc) =	sbr.ind lr, $3  }
0x3a: {  	_ = 	snop  }
0x3b: {  	_ = 	snop  }
0x3c: {  	p2 =	seq.s32 s10, $0x1;
	s10 =	sld [smem:$0x3FBA]  }
0x3d: {  	_ =	shalt  }
0x3e: {  	_ =	shalt  }
0x3f: {  	_ =	shalt  }
0x40: {  	_ =	shalt  }
0x41: {  	_ =	shalt  }
0x42: {  	_ =	shalt  }
0x43: {  	_ =	shalt  }
0x44: {  	_ =	shalt  }
0x45: {  	_ =	shalt  }
0x46: {  	_ =	shalt  }
0x47: {  	_ =	shalt  }
0x48: {  	_ =	shalt  }
0x49: {  	_ =	shalt  }
0x4a: {  	_ =	shalt  }
0x4b: {  	_ =	shalt  }
0x4c: {  	_ =	shalt  }
0x4d: {  	_ =	shalt  }
0x4e: {  	_ =	shalt  }
0x4f: {  	_ =	shalt  }
0x50: {  	_ =	shalt  }
0x51: {  	_ =	shalt  }
0x52: {  	_ =	shalt  }
0x53: {  	_ =	shalt  }
0x54: {  	_ =	shalt  }
0x55: {  	_ =	shalt  }
0x56: {  	_ =	shalt  }
0x57: {  	_ =	shalt  }
0x58: {  	_ =	shalt  }
0x59: {  	_ =	shalt  }
0x5a: {  	_ =	shalt  }
0x5b: {  	_ =	shalt  }
0x5c: {  	_ =	shalt  }
0x5d: {  	_ =	shalt  }
0x5e: {  	_ =	shalt  }
0x5f: {  	_ =	shalt  }
0x60: {  	_ =	shalt  }
0x61: {  	_ =	shalt  }
0x62: {  	_ =	shalt  }
0x63: {  	_ =	shalt  }
0x64: {  	_ =	shalt  }
0x65: {  	_ =	shalt  }
0x66: {  	_ =	shalt  }
0x67: {  	_ =	shalt  }
0x68: {  	_ =	shalt  }
0x69: {  	_ =	shalt  }
0x6a: {  	_ =	shalt  }
0x6b: {  	_ =	shalt  }
0x6c: {  	_ =	shalt  }
0x6d: {  	_ =	shalt  }
0x6e: {  	_ =	shalt  }
0x6f: {  	_ =	shalt  }
0x70: {  	_ =	shalt  }
0x71: {  	_ =	shalt  }
0x72: {  	_ =	shalt  }
0x73: {  	_ =	shalt  }
0x74: {  	_ =	shalt  }
0x75: {  	_ =	shalt  }
0x76: {  	_ =	shalt  }
0x77: {  	_ =	shalt  }
0x78: {  	_ =	shalt  }
0x79: {  	_ =	shalt  }
0x7a: {  	_ =	shalt  }
0x7b: {  	_ =	shalt  }
0x7c: {  	_ =	shalt  }
0x7d: {  	_ =	shalt  }
0x7e: {  	_ =	shalt  }
0x7f: {  	_ =	shalt  }
0x80: {  	_ =	shalt  }
0x81: {  	_ =	shalt  }
0x82: {  	_ =	shalt  }
0x83: {  	_ =	shalt  }
0x84: {  	_ =	shalt  }
0x85: {  	_ =	shalt  }
0x86: {  	_ =	shalt  }
0x87: {  	_ =	shalt  }
.Lfunc_end0:
.L_simem_size_0:
called_computation.1_lowered:
.L_overlay_start_0:
0x88: {  	s2 =	sld [smem:$0x3FD9]  }
0x89: {  	s3 =	sld [smem:$0x3FFE];
	_ =	sdelay $0x1  }
0x8a: {  	s1 =	srdreg.scid  }
0x8b: {  	s0 =	sand.u32 $0x1, s1  }
0x8c: {  	s17 =	sshll.u32 s0, $0xA;
	s2 =	sadd.s32 s3, s2  }
0x8d: {  	s2 =	sadd.s32 s2, s17  }
0x8e: {  	[smem:$0x3FC6] =	sst s2  }
0x8f: {  	_ = 	snop  }
0x90: {  	s2 =	sld [smem:$0x3FD0];
	(tm) =	ssettm $0x1  }
0x91: {  	s18 =	sld [smem:$0x3FFB];
	_ =	sdelay $0x3  }
0x92: {  	_ =	strace s18  }
0x93: {  	s3 =	sld [smem:$0x3FFC];
	_ =	sdelay $0x3  }
0x94: {  	_ =	strace s3  }
0x95: {  	s3 =	sld [smem:$0x3FFD];
	_ =	sdelay $0x3  }
0x96: {  	_ =	strace s3  }
0x97: {  	_ =	strace $0x8FFFFFFF  }
0x98: {  	s19 =	sld [smem:$0x3FDB];
	_ =	sdelay $0x1  }
0x99: {  	s4 =	simm.s32 $_scs_section_size  }
0x9a: {  	s5 =	simm.s32 $_size__tile_overlayer_lowered;
	s6 =	simm.s32 $_tile_overlayer_lowered  }
0x9b: {  	s22 =	simm.s32 $0x1BFF;
	s21 =	sshll.u32 s6, $0x1;
	s3 =	sadd.s32 s4, s19  }
0x9c: {  	s7 =	simm.s32 $0x0;
	s20 =	sshll.u32 s5, $0x1;
	s5 =	sadd.s32 s21, s3  }
0x9d: {  	[timem:s7], [sflag:s22] =	dma.local [hbm:s5], s20  }
0x9e: {  	_ =	swait.ge [sflag:s22], s20  }
0x9f: {  	s4 =	ssub.s32 $0x0, s20;
	[sflag:s22] =	ssyncset.done $0x0  }
0xa0: {  	[sflag:s22] =	ssyncadd.s32 s4;
	_ =	sdelay $0x1  }
0xa1: {  	s23 =	simm.s32 $0x1B8B  }
0xa2: {  	_ =	swait.ge [sflag:s23], $0x1  }
0xa3: {  	[sflag:s23] =	ssyncset.done $0x0  }
0xa4: {  	s25 =	simm.s32 $0x1B8E;
	s24 =	sld [smem:$0x3FFE];
	[sflag:s23] =	ssyncadd.s32 $0xFFFFFFFF  }
0xa5: {  	s26 =	simm.s32 $execute0_lowered;
	[smem:$0x3FD2] =	sst s25  }
0xa6: {  	s5 =	sshll.u32 s26, $0x1;
	_ =	strace $0x80000046;
	[dreg:$0x1] =	wrdreg $0xFFFFFFFF  }
0xa7: {  	s28 =	simm.s32 $_size_execute0_lowered;
	s3 =	sadd.s32 s3, s5;
	[dreg:$0x0] =	wrdreg $0x0  }
0xa8: {  	s5 =	sshll.u32 s28, $0x1;
	[dreg:$0x2] =	wrdreg s3  }
0xa9: {  	[dreg:$0x3] =	wrdreg s5  }
0xaa: {  	[dreg:$0x4] =	wrdreg $0xC0  }
0xab: {  	_ =	task [dreg:s7], $0x5FFFF  }
0xac: {  	[dreg:$0x1] =	wrdreg $0xFFFFFFFF  }
0xad: {  	[dreg:$0x0] =	wrdreg $0x60  }
0xae: {  	[dreg:$0x2] =	wrdreg s24  }
0xaf: {  	[dreg:$0x3] =	wrdreg s2  }
0xb0: {  	[dreg:$0x4] =	wrdreg $0x9  }
0xb1: {  	_ =	task.clear_ibuf [dreg:s7], $0x5FFFF;
	_ =	strace $0x90000046  }
0xb2: {  	s29 =	simm.s32 $0x9;
	_ =	strace $0x80000048  }
0xb3: {  	_ =	swait.ge [sflag:s29], $0x1  }
0xb4: {  	[sflag:s29] =	ssyncadd.s32 $0xFFFFFFFF  }
0xb5: {  	_ =	strace $0x90000048  }
0xb6: {  	_ =	sfence  }
0xb7: {  	s30 =	sld [smem:$0x0];
	_ =	sdelay $0x2  }
0xb8: {  	s31 =	sshll.u32 s1, $0xD;
	s1 =	sshrl.u32 s1, $0x2  }
0xb9: {  	s3 =	sand.u32 $0x4000, s31;
	s1 =	sadd.s32 s1, s30  }
0xba: {  	s0 =	sor.u32 s3, s0;
	s1 =	sshll.u32 s1, $0x11  }
0xbb: {  	s0 =	sor.u32 s1, s0  }
0xbc: {  	s0 =	sadd.s32 $0x8F2B, s0  }
0xbd: {  	[sflag:s0] =	ssyncadd.remote.s32 $0x1  }
0xbe: {  	_ =	sfence.sel $0xFFFF  }
0xbf: {  	[dreg:$0x0] =	wrdreg $0xFFFFFFFF;
	(pc) =	sbr.abs _section_cstart, $3  }
0xc0: {  	[dreg:$0x1] =	wrdreg $0xFFFFFFFF  }
0xc1: {  	_ =	task.clear_ibuf [dreg:s7], $0x2FFFF;
	_ =	strace $0x9FFFFFFF  }
0xc2: {  	(tm) =	ssettm $0x7FFFFFFF  }
0xc3: {  	_ =	shalt  }
tec
execute0_lowered:
.L_overlay_start_1:
0x0: {  	(tag) =	ssettag $0x1  }
0x1: {  	s0 =	rddreg [dreg:$0x0];
	s1 =	srdreg.scid  }
0x2: {  	s9 =	stileid.u32;
	s5 =	rddreg [dreg:$0x1];
	s2 =	simm.s32 $0x0  }
0x3: {  	s28 =	simm.s32 $0x2;
	s1 =	sand.u32 $0x1, s1;
	s3 =	sshll.u32 s9, $0x1  }
0x4: {  	s29 =	simm.s32 $0x15E00;
	s11 =	smul.u32 $0x64000, s9;
	s6 =	sor.u32 s1, s3  }
0x5: {  	s30 =	simm.s32 $0x19000;
	s4 =	ssub.s32 $0x2, s1;
	s3 =	smul.u32 $0xC80, s6  }
0x6: {  	[smem:$0x7FF] =	sst s2;
	s7 =	smul.u32 $0x32000, s6;
	s26 =	sshrl.u32 s4, $0x1  }
0x7: {  	s6 =	smul.u32 $0x190000, s6;
	s8 =	sadd.s32 s3, s0;
	s3 =	sadd.s32 $0xF42E00, s0  }
0x8: {  	s0 =	ssub.s32 s4, s26;
	s4 =	sadd.s32 s5, s7;
	s8 =	sadd.s32 $0xA00, s8  }
0x9: {  	_ =	strace $0x80000047;
	s10 =	sadd.s32 $0x640, s4;
	[dreg:$0x6] =	wrdreg s8  }
0xa: {  	s6 =	sshrl.u32 s6, $0x3;
	s13 =	sadd.s32 $0xC80, s4;
	[dreg:$0x7] =	wrdreg s10  }
0xb: {  	s14 =	sadd.s32 $0x12C0, s4;
	s6 =	sadd.s32 s5, s6;
	[dreg:$0x8] =	wrdreg s13  }
0xc: {  	s12 =	smul.u32 $0x320000, s9;
	[dreg:$0x9] =	wrdreg s14;
	s15 =	sadd.s32 $0x30700, s6  }
0xd: {  	s13 =	smul.u32 $0x190000, s1;
	s16 =	sadd.s32 $0x30D40, s6;
	[dreg:$0xa] =	wrdreg s15  }
0xe: {  	s1 =	smul.u32 $0x32000, s1;
	s17 =	sadd.s32 $0x31380, s6;
	[dreg:$0xb] =	wrdreg s16  }
0xf: {  	s31 =	simm.s32 $0x1C200;
	s7 =	sadd.s32 s11, s5;
	[dreg:$0xc] =	wrdreg s17  }
0x10: {  	s15 =	sadd.s32 s13, s12;
	s12 =	sadd.s32 $0x319C0, s6;
	s1 =	sadd.s32 s1, s7  }
0x11: {  	s13 =	smax.u32 s0, $0x1;
	s18 =	sadd.s32 $0x15E00, s15;
	[dreg:$0x3] =	wrdreg s1  }
0x12: {  	s20 =	sadd.s32 $0x12C00, s15;
	s21 =	sor.u32 $0xFA00, s15;
	s24 =	sadd.s32 $0x22600, s15  }
0x13: {  	s25 =	sadd.s32 $0x1F400, s15;
	s26 =	sadd.s32 $0x1C200, s15;
	s19 =	sshrl.u32 s18, $0x3  }
0x14: {  	s6 =	sshrl.u32 s20, $0x3;
	s23 =	sshrl.u32 s21, $0x3;
	s0 =	sshrl.u32 s24, $0x3  }
0x15: {  	s18 =	simm.s32 $0x5;
	s20 =	simm.s32 $0x6400;
	s21 =	simm.s32 $0x12C00  }
0x16: {  	s24 =	simm.s32 $0xC800;
	s1 =	sadd.s32 s19, s5;
	s22 =	sadd.s32 s6, s5  }
0x17: {  	s14 =	sadd.s32 s23, s5;
	s6 =	sshrl.u32 s26, $0x3;
	s15 =	sadd.s32 s0, s5  }
0x18: {  	s19 =	simm.s32 $0x320;
	s23 =	simm.s32 $0x9600;
	[dreg:$0x4] =	wrdreg s1  }
0x19: {  	s26 =	simm.s32 $0x3;
	s0 =	simm.s32 $0x0;
	[dreg:$0x5] =	wrdreg s22  }
0x1a: {  	s1 =	sshrl.u32 s25, $0x3;
	s17 =	sadd.s32 s6, s5;
	s22 =	simm.s32 $0x1  }
0x1b: {  	s25 =	simm.s32 $0xFA00;
	s16 =	sadd.s32 s1, s5;
	s1 =	simm.s32 $0x4  }
.LBB2_1:
0x1c: {  	s5 =	rddreg [dreg:$0x6]  }
0x1d: {  	[tilespmem:s2], [sflag:$0x5] =	stream.linear.gather [hbm4b:s5+s2], $0x6400, $0x38;
	[tilespmem:$0x1F400] =	vst v63  }
0x1e: {  	_ =	swait.ge [sflag:s18], $0x6400  }
0x1f: {  	[sflag:s18] =	ssyncset.done $0x0  }
0x20: {  	[sflag:s18] =	ssyncadd.s32 $0xFFFF9C00  }
0x21: {  	[tilespmem:s20], [sflag:$0x1] =	stream.indirect.gather [hbm4b:s3+s19], $0x40, s2, s19, $0xb8;
	[tilespmem:$0x1F400] =	vst v63  }
0x22: {  	_ = 	snop  }
0x23: {  	[tilespmem:s21], [sflag:$0x2] =	stream.indirect.gather [hbm4b:s3+s19], $0x40, s19, s19, $0xb8;
	[tilespmem:$0x1F400] =	vst v63  }
0x24: {  	_ =	swait.ge [sflag:s22], $0xC800  }
0x25: {  	[sflag:s22] =	ssyncset.done $0x0  }
0x26: {  	[sflag:s22] =	ssyncadd.s32 $0xFFFF3800  }
0x27: {  	[hbm4b:s4+s2] =	stream.linear.scatter [tilespmem:s20], [sflag:$0x3], $0x3200, $0x38;
	[tilespmem:$0x1F400] =	vst v63  }
0x28: {  	s11 =	rddreg [dreg:$0x7]  }
0x29: {  	[hbm4b:s11+s2] =	stream.linear.scatter [tilespmem:s23], [sflag:$0x3], $0x3200, $0x38;
	[tilespmem:$0x1F400] =	vst v63  }
0x2a: {  	s6 =	rddreg [dreg:$0x8]  }
0x2b: {  	[hbm4b:s6+s2] =	stream.linear.scatter [tilespmem:s24], [sflag:$0x3], $0x3200, $0x38;
	[tilespmem:$0x1F400] =	vst v63  }
0x2c: {  	s7 =	rddreg [dreg:$0x9]  }
0x2d: {  	[hbm4b:s7+s2] =	stream.linear.scatter [tilespmem:s25], [sflag:$0x3], $0x3200, $0x38;
	[tilespmem:$0x1F400] =	vst v63  }
0x2e: {  	_ =	swait.ge [sflag:s26], $0x3200  }
0x2f: {  	[sflag:s26] =	ssyncset.done $0x0  }
0x30: {  	[sflag:s26] =	ssyncadd.s32 $0xFFFFCE00  }
0x31: {  	_ =	swait.ge [sflag:s26], $0x3200  }
0x32: {  	[sflag:s26] =	ssyncset.done $0x0  }
0x33: {  	[sflag:s26] =	ssyncadd.s32 $0xFFFFCE00  }
0x34: {  	_ =	swait.ge [sflag:s26], $0x3200  }
0x35: {  	[sflag:s26] =	ssyncset.done $0x0  }
0x36: {  	[sflag:s26] =	ssyncadd.s32 $0xFFFFCE00  }
0x37: {  	_ =	swait.ge [sflag:s26], $0x3200  }
0x38: {  	[sflag:s26] =	ssyncset.done $0x0  }
0x39: {  	s8 =	simm.s32 $0x640;
	[sflag:s26] =	ssyncadd.s32 $0xFFFFCE00  }
0x3a: {  	[tilespmem:s20], [sflag:$0x1] =	stream.indirect.gather [hbm4b:s3+s19], $0x40, s8, s19, $0xb8;
	[tilespmem:$0x1F400] =	vst v63  }
0x3b: {  	_ =	swait.ge [sflag:s28], $0xC800  }
0x3c: {  	s9 =	rddreg [dreg:$0x3]  }
0x3d: {  	[sflag:s28] =	ssyncset.done $0x0;
	s5 =	sadd.s32 $0x0, s9  }
0x3e: {  	[sflag:s28] =	ssyncadd.s32 $0xFFFF3800;
	s6 =	sadd.s32 $0x1900, s5  }
0x3f: {  	[hbm4b:s6+s2] =	stream.linear.scatter [tilespmem:s21], [sflag:$0x4], $0x3200, $0x38;
	[tilespmem:$0x1F400] =	vst v63  }
0x40: {  	s7 =	sadd.s32 $0x0, s14;
	s10 =	rddreg [dreg:$0x5]  }
0x41: {  	[hbm4b:s7+s2] =	stream.linear.scatter [tilespmem:s29], [sflag:$0x4], $0x3200, $0x38;
	[tilespmem:$0x1F400] =	vst v63  }
0x42: {  	s11 =	rddreg [dreg:$0x4];
	s6 =	sadd.s32 $0x0, s10  }
0x43: {  	[hbm4b:s6+s2] =	stream.linear.scatter [tilespmem:s30], [sflag:$0x4], $0x3200, $0x38;
	[tilespmem:$0x1F400] =	vst v63  }
0x44: {  	s8 =	sadd.s32 $0x0, s11  }
0x45: {  	[hbm4b:s8+s2] =	stream.linear.scatter [tilespmem:s31], [sflag:$0x4], $0x3200, $0x38;
	[tilespmem:$0x1F400] =	vst v63  }
0x46: {  	_ =	swait.ge [sflag:s1], $0x3200  }
0x47: {  	[sflag:s1] =	ssyncset.done $0x0  }
0x48: {  	[sflag:s1] =	ssyncadd.s32 $0xFFFFCE00  }
0x49: {  	_ =	swait.ge [sflag:s1], $0x3200  }
0x4a: {  	[sflag:s1] =	ssyncset.done $0x0  }
0x4b: {  	[sflag:s1] =	ssyncadd.s32 $0xFFFFCE00  }
0x4c: {  	_ =	swait.ge [sflag:s1], $0x3200  }
0x4d: {  	[sflag:s1] =	ssyncset.done $0x0  }
0x4e: {  	[sflag:s1] =	ssyncadd.s32 $0xFFFFCE00  }
0x4f: {  	_ =	swait.ge [sflag:s1], $0x3200  }
0x50: {  	[sflag:s1] =	ssyncset.done $0x0  }
0x51: {  	s9 =	simm.s32 $0x960;
	[sflag:s1] =	ssyncadd.s32 $0xFFFFCE00  }
0x52: {  	[tilespmem:s21], [sflag:$0x2] =	stream.indirect.gather [hbm4b:s3+s19], $0x40, s9, s19, $0xb8;
	[tilespmem:$0x1F400] =	vst v63  }
0x53: {  	_ =	swait.ge [sflag:s22], $0xC800  }
0x54: {  	[sflag:s22] =	ssyncset.done $0x0  }
0x55: {  	s5 =	sadd.s32 $0x3200, s5;
	[sflag:s22] =	ssyncadd.s32 $0xFFFF3800  }
0x56: {  	[hbm4b:s5+s2] =	stream.linear.scatter [tilespmem:s20], [sflag:$0x3], $0x3200, $0x38;
	[tilespmem:$0x1F400] =	vst v63  }
0x57: {  	s11 =	sadd.s32 $0x0, s16;
	s10 =	sadd.s32 $0x0, s17  }
0x58: {  	[hbm4b:s10+s2] =	stream.linear.scatter [tilespmem:s23], [sflag:$0x3], $0x3200, $0x38;
	[tilespmem:$0x1F400] =	vst v63  }
0x59: {  	s7 =	sadd.s32 $0x0, s15;
	s6 =	simm.s32 $0xFA0;
	s5 =	simm.s32 $0x3200  }
0x5a: {  	[hbm4b:s11+s2] =	stream.linear.scatter [tilespmem:s24], [sflag:$0x3], $0x3200, $0x38;
	[tilespmem:$0x1F400] =	vst v63  }
.LBB2_2:
0x5b: {  	[hbm4b:s7+s2] =	stream.linear.scatter [tilespmem:s25], [sflag:$0x3], $0x3200, $0x38;
	[tilespmem:$0x1F400] =	vst v63  }
0x5c: {  	_ =	swait.ge [sflag:s26], $0x3200  }
0x5d: {  	[sflag:s26] =	ssyncset.done $0x0  }
0x5e: {  	[sflag:s26] =	ssyncadd.s32 $0xFFFFCE00  }
0x5f: {  	_ =	swait.ge [sflag:s26], $0x3200  }
0x60: {  	[sflag:s26] =	ssyncset.done $0x0  }
0x61: {  	[sflag:s26] =	ssyncadd.s32 $0xFFFFCE00  }
0x62: {  	_ =	swait.ge [sflag:s26], $0x3200  }
0x63: {  	[sflag:s26] =	ssyncset.done $0x0  }
0x64: {  	[sflag:s26] =	ssyncadd.s32 $0xFFFFCE00  }
0x65: {  	_ =	swait.ge [sflag:s26], $0x3200  }
0x66: {  	[sflag:s26] =	ssyncset.done $0x0  }
0x67: {  	s8 =	sadd.s32 $0xFFFFFCE0, s6;
	[sflag:s26] =	ssyncadd.s32 $0xFFFFCE00  }
0x68: {  	[tilespmem:s20], [sflag:$0x1] =	stream.indirect.gather [hbm4b:s3+s19], $0x40, s8, s19, $0xb8;
	[tilespmem:$0x1F400] =	vst v63  }
0x69: {  	_ =	swait.ge [sflag:s28], $0xC800  }
0x6a: {  	s7 =	smov.u32 s5;
	s9 =	rddreg [dreg:$0x3]  }
0x6b: {  	[sflag:s28] =	ssyncset.done $0x0;
	s8 =	sadd.s32 s7, s9  }
0x6c: {  	[sflag:s28] =	ssyncadd.s32 $0xFFFF3800;
	s9 =	sadd.s32 $0x1900, s8  }
0x6d: {  	[hbm4b:s9+s2] =	stream.linear.scatter [tilespmem:s21], [sflag:$0x4], $0x3200, $0x38;
	[tilespmem:$0x1F400] =	vst v63  }
0x6e: {  	s10 =	rddreg [dreg:$0x5];
	s9 =	sadd.s32 s7, s14  }
0x6f: {  	[hbm4b:s9+s2] =	stream.linear.scatter [tilespmem:s29], [sflag:$0x4], $0x3200, $0x38;
	[tilespmem:$0x1F400] =	vst v63  }
0x70: {  	s11 =	rddreg [dreg:$0x4];
	s10 =	sadd.s32 s7, s10  }
0x71: {  	[hbm4b:s10+s2] =	stream.linear.scatter [tilespmem:s30], [sflag:$0x4], $0x3200, $0x38;
	[tilespmem:$0x1F400] =	vst v63  }
0x72: {  	s11 =	sadd.s32 s7, s11  }
0x73: {  	[hbm4b:s11+s2] =	stream.linear.scatter [tilespmem:s31], [sflag:$0x4], $0x3200, $0x38;
	[tilespmem:$0x1F400] =	vst v63  }
0x74: {  	_ =	swait.ge [sflag:s1], $0x3200  }
0x75: {  	[sflag:s1] =	ssyncset.done $0x0  }
0x76: {  	[sflag:s1] =	ssyncadd.s32 $0xFFFFCE00  }
0x77: {  	_ =	swait.ge [sflag:s1], $0x3200  }
0x78: {  	[sflag:s1] =	ssyncset.done $0x0  }
0x79: {  	[sflag:s1] =	ssyncadd.s32 $0xFFFFCE00  }
0x7a: {  	_ =	swait.ge [sflag:s1], $0x3200  }
0x7b: {  	[sflag:s1] =	ssyncset.done $0x0  }
0x7c: {  	[sflag:s1] =	ssyncadd.s32 $0xFFFFCE00  }
0x7d: {  	_ =	swait.ge [sflag:s1], $0x3200  }
0x7e: {  	[sflag:s1] =	ssyncset.done $0x0  }
0x7f: {  	[sflag:s1] =	ssyncadd.s32 $0xFFFFCE00  }
0x80: {  	[tilespmem:s21], [sflag:$0x2] =	stream.indirect.gather [hbm4b:s3+s19], $0x40, s6, s19, $0xb8;
	[tilespmem:$0x1F400] =	vst v63  }
0x81: {  	_ =	swait.ge [sflag:s22], $0xC800  }
0x82: {  	[sflag:s22] =	ssyncset.done $0x0  }
0x83: {  	p0 =	sne.s32 s5, $0x2BC00;
	s8 =	sadd.s32 $0x3200, s8;
	[sflag:s22] =	ssyncadd.s32 $0xFFFF3800  }
0x84: {  	[hbm4b:s8+s2] =	stream.linear.scatter [tilespmem:s20], [sflag:$0x3], $0x3200, $0x38;
	[tilespmem:$0x1F400] =	vst v63  }
.Ltmp0:
0x85: {  	_ = 	snop;
	(pc) =	sbr.rel @p0 .LBB2_2-.Ltmp0, $4  }
0x86: {  	s5 =	sadd.s32 $0x3200, s5;
	s10 =	sadd.s32 s7, s17  }
0x87: {  	[hbm4b:s10+s2] =	stream.linear.scatter [tilespmem:s23], [sflag:$0x3], $0x3200, $0x38;
	[tilespmem:$0x1F400] =	vst v63  }
0x88: {  	s11 =	sadd.s32 s7, s16;
	s7 =	sadd.s32 s7, s15;
	s6 =	sadd.s32 $0x640, s6  }
0x89: {  	[hbm4b:s11+s2] =	stream.linear.scatter [tilespmem:s24], [sflag:$0x3], $0x3200, $0x38;
	[tilespmem:$0x1F400] =	vst v63  }
0x8a: {  	[hbm4b:s7+s2] =	stream.linear.scatter [tilespmem:s25], [sflag:$0x3], $0x3200, $0x38;
	[tilespmem:$0x1F400] =	vst v63  }
0x8b: {  	_ =	swait.ge [sflag:s28], $0xC800  }
0x8c: {  	[sflag:s28] =	ssyncset.done $0x0  }
0x8d: {  	s5 =	rddreg [dreg:$0xa];
	[sflag:s28] =	ssyncadd.s32 $0xFFFF3800  }
0x8e: {  	[hbm4b:s5+s2] =	stream.linear.scatter [tilespmem:s21], [sflag:$0x4], $0x3200, $0x38;
	[tilespmem:$0x1F400] =	vst v63  }
0x8f: {  	s10 =	rddreg [dreg:$0xb]  }
0x90: {  	[hbm4b:s10+s2] =	stream.linear.scatter [tilespmem:s29], [sflag:$0x4], $0x3200, $0x38;
	[tilespmem:$0x1F400] =	vst v63  }
0x91: {  	s11 =	rddreg [dreg:$0xc]  }
0x92: {  	[hbm4b:s11+s2] =	stream.linear.scatter [tilespmem:s30], [sflag:$0x4], $0x3200, $0x38;
	[tilespmem:$0x1F400] =	vst v63  }
0x93: {  	_ = 	snop  }
0x94: {  	[hbm4b:s12+s2] =	stream.linear.scatter [tilespmem:s31], [sflag:$0x4], $0x3200, $0x38;
	[tilespmem:$0x1F400] =	vst v63  }
0x95: {  	_ =	swait.ge [sflag:s26], $0x3200  }
0x96: {  	[sflag:s26] =	ssyncset.done $0x0  }
0x97: {  	[sflag:s26] =	ssyncadd.s32 $0xFFFFCE00  }
0x98: {  	_ =	swait.ge [sflag:s26], $0x3200  }
0x99: {  	[sflag:s26] =	ssyncset.done $0x0  }
0x9a: {  	[sflag:s26] =	ssyncadd.s32 $0xFFFFCE00  }
0x9b: {  	_ =	swait.ge [sflag:s26], $0x3200  }
0x9c: {  	[sflag:s26] =	ssyncset.done $0x0  }
0x9d: {  	[sflag:s26] =	ssyncadd.s32 $0xFFFFCE00  }
0x9e: {  	_ =	swait.ge [sflag:s26], $0x3200  }
0x9f: {  	[sflag:s26] =	ssyncset.done $0x0  }
0xa0: {  	[sflag:s26] =	ssyncadd.s32 $0xFFFFCE00  }
0xa1: {  	_ =	swait.ge [sflag:s1], $0x3200  }
0xa2: {  	[sflag:s1] =	ssyncset.done $0x0  }
0xa3: {  	[sflag:s1] =	ssyncadd.s32 $0xFFFFCE00  }
0xa4: {  	_ =	swait.ge [sflag:s1], $0x3200  }
0xa5: {  	[sflag:s1] =	ssyncset.done $0x0  }
0xa6: {  	s0 =	sadd.s32 $0x1, s0;
	[sflag:s1] =	ssyncadd.s32 $0xFFFFCE00  }
0xa7: {  	p0 =	sne.s32 s0, s13;
	_ =	swait.ge [sflag:s1], $0x3200  }
.Ltmp1:
0xa8: {  	[sflag:s1] =	ssyncset.done $0x0;
	(pc) =	sbr.rel @p0 .LBB2_1-.Ltmp1, $4  }
0xa9: {  	[sflag:s1] =	ssyncadd.s32 $0xFFFFCE00  }
0xaa: {  	_ =	swait.ge [sflag:s1], $0x3200  }
0xab: {  	[sflag:s1] =	ssyncset.done $0x0  }
0xac: {  	[sflag:s1] =	ssyncadd.s32 $0xFFFFCE00  }
0xad: {  	_ =	sfence.sel $0x180000  }
0xae: {  	[bflag:$0x0] =	sbarrier.arrive $0xFFFF  }
0xaf: {  	_ =	strace $0x90000047  }
0xb0: {  	s0 =	stileid.u32;
	[bflag:$0x2] =	sbarrier.arrive $0xFFFF  }
0xb1: {  	p0 =	sne.s32 s0, $0x0;
	s0 =	rddreg [dreg:$0x2]  }
0xb2: {  	s0 =	sadd.s32 @!p0 $0x100000, s0  }
0xb3: {  	[sflag:s0] =	ssyncadd.tile.s32 @!p0 $0x1;
	_ =	shalt  }
.Lfunc_end2:
_tile_overlayer_lowered:
.L_overlay_start_2:
0xb4: {  	(tag) =	ssettag $0x2  }
0xb5: {  	s0 =	rddreg [dreg:$0x0];
	s2 =	stileid.u32  }
0xb6: {  	s1 =	rddreg [dreg:$0x1];
	p0 =	sne.s32 s2, $0x0  }
0xb7: {  	s3 =	rddreg [dreg:$0x2];
	[bflag:$0x3] =	sbarrier.arrive $0xFFFF;
	s2 =	simm.s32 @!p0 $0x1C05  }
0xb8: {  	[timem:s3], [sflag:s2] =	dma.local @!p0 [hbm:s0], s1  }
0xb9: {  	s0 =	simm.s32 @!p0 $0x5  }
0xba: {  	_ =	swait.ge @!p0 [sflag:s0], s1  }
0xbb: {  	s1 =	ssub.s32 @!p0 $0x0, s1;
	[sflag:s0] =	ssyncset.done @!p0 $0x0  }
0xbc: {  	[sflag:s0] =	ssyncadd.s32 @!p0 s1  }
0xbd: {  	[bflag:$0x3] =	sbarrier.arrive $0xFFFF  }
0xbe: {  	_ =	shalt  }

// kernel: sparse-core-data-format-call.cloned.1.call-start
scs
called_computation_lowered:
.L_overlay_start_0:
0x0: {  	s2 =	sld [smem:$0x3FD9]  }
0x1: {  	s3 =	sld [smem:$0x3FFE];
	_ =	sdelay $0x1  }
0x2: {  	s1 =	srdreg.scid  }
0x3: {  	s0 =	sand.u32 $0x1, s1  }
0x4: {  	s18 =	sshll.u32 s0, $0xA;
	s2 =	sadd.s32 s3, s2  }
0x5: {  	s2 =	sadd.s32 s2, s18  }
0x6: {  	[smem:$0x3FC6] =	sst s2  }
0x7: {  	_ = 	snop  }
0x8: {  	s2 =	sld [smem:$0x3FD0];
	(tm) =	ssettm $0x1  }
0x9: {  	s19 =	sld [smem:$0x3FFB];
	_ =	sdelay $0x3  }
0xa: {  	_ =	strace s19  }
0xb: {  	s3 =	sld [smem:$0x3FFC];
	_ =	sdelay $0x3  }
0xc: {  	_ =	strace s3  }
0xd: {  	s3 =	sld [smem:$0x3FFD];
	_ =	sdelay $0x3  }
0xe: {  	_ =	strace s3  }
0xf: {  	_ =	strace $0x8FFFFFFF  }
0x10: {  	s20 =	sld [smem:$0x3FDB];
	_ =	sdelay $0x1  }
0x11: {  	s4 =	simm.s32 $_scs_section_size  }
0x12: {  	s5 =	simm.s32 $_size__tile_overlayer_lowered;
	s6 =	simm.s32 $_tile_overlayer_lowered  }
0x13: {  	s23 =	simm.s32 $0x1BFF;
	s22 =	sshll.u32 s6, $0x1;
	s3 =	sadd.s32 s4, s20  }
0x14: {  	s7 =	simm.s32 $0x0;
	s21 =	sshll.u32 s5, $0x1;
	s5 =	sadd.s32 s22, s3  }
0x15: {  	[timem:s7], [sflag:s23] =	dma.local [hbm:s5], s21  }
0x16: {  	_ =	swait.ge [sflag:s23], s21  }
0x17: {  	s4 =	ssub.s32 $0x0, s21;
	[sflag:s23] =	ssyncset.done $0x0  }
0x18: {  	[sflag:s23] =	ssyncadd.s32 s4;
	_ =	sdelay $0x1  }
0x19: {  	s24 =	simm.s32 $0x1B8B  }
0x1a: {  	_ =	swait.ge [sflag:s24], $0x1  }
0x1b: {  	[sflag:s24] =	ssyncset.done $0x0  }
0x1c: {  	s26 =	simm.s32 $0x1B8E;
	s25 =	sld [smem:$0x3FFE];
	[sflag:s24] =	ssyncadd.s32 $0xFFFFFFFF  }
0x1d: {  	s27 =	simm.s32 $execute0_lowered;
	[smem:$0x3FD2] =	sst s26  }
0x1e: {  	s5 =	sshll.u32 s27, $0x1;
	_ =	strace $0x80000049;
	[dreg:$0x1] =	wrdreg $0xFFFFFFFF  }
0x1f: {  	s28 =	simm.s32 $_size_execute0_lowered;
	s3 =	sadd.s32 s3, s5;
	[dreg:$0x0] =	wrdreg $0x0  }
0x20: {  	s5 =	sshll.u32 s28, $0x1;
	[dreg:$0x2] =	wrdreg s3  }
0x21: {  	[dreg:$0x3] =	wrdreg s5  }
0x22: {  	[dreg:$0x4] =	wrdreg $0xC0  }
0x23: {  	_ =	task [dreg:s7], $0x5FFFF  }
0x24: {  	[dreg:$0x1] =	wrdreg $0xFFFFFFFF  }
0x25: {  	[dreg:$0x0] =	wrdreg $0x60  }
0x26: {  	[dreg:$0x2] =	wrdreg s25  }
0x27: {  	[dreg:$0x3] =	wrdreg s2  }
0x28: {  	[dreg:$0x4] =	wrdreg $0x9  }
0x29: {  	_ =	task.clear_ibuf [dreg:s7], $0x5FFFF;
	_ =	strace $0x90000049  }
0x2a: {  	s29 =	simm.s32 $0x9;
	_ =	strace $0x8000004B  }
0x2b: {  	_ =	swait.ge [sflag:s29], $0x1  }
0x2c: {  	[sflag:s29] =	ssyncadd.s32 $0xFFFFFFFF  }
0x2d: {  	_ =	strace $0x9000004B  }
0x2e: {  	_ =	sfence  }
0x2f: {  	s30 =	sld [smem:$0x0];
	_ =	sdelay $0x2  }
0x30: {  	s31 =	sshll.u32 s1, $0xD;
	s1 =	sshrl.u32 s1, $0x2  }
0x31: {  	s3 =	sand.u32 $0x4000, s31;
	s1 =	sadd.s32 s1, s30  }
0x32: {  	s0 =	sor.u32 s3, s0;
	s1 =	sshll.u32 s1, $0x11  }
0x33: {  	s0 =	sor.u32 s1, s0  }
0x34: {  	s0 =	sadd.s32 $0x8F2B, s0  }
0x35: {  	[sflag:s0] =	ssyncadd.remote.s32 $0x1  }
0x36: {  	_ =	sfence.sel $0xFFFF  }
0x37: {  	[dreg:$0x0] =	wrdreg $0xFFFFFFFF;
	(pc) =	sbr.abs _section_cstart, $3  }
0x38: {  	[dreg:$0x1] =	wrdreg $0xFFFFFFFF  }
0x39: {  	_ =	task.clear_ibuf [dreg:s7], $0x2FFFF;
	_ =	strace $0x9FFFFFFF  }
0x3a: {  	(tm) =	ssettm $0x7FFFFFFF  }
0x3b: {  	_ =	shalt  }
tec
execute0_lowered:
.L_overlay_start_1:
0x0: {  	(tag) =	ssettag $0x1  }
0x1: {  	s0 =	srdreg.scid  }
0x2: {  	s1 =	sshll.u32 s0, $0x4  }
0x3: {  	s0 =	stileid.u32;
	s1 =	sand.u32 $0x10, s1  }
0x4: {  	s1 =	sor.u32 s0, s1  }
0x5: {  	s6 =	rddreg [dreg:$0x0];
	s4 =	simm.s32 $0x1;
	s2 =	sshll.u32 s1, $0x7  }
0x6: {  	s7 =	simm.s32 $0x2;
	s12 =	simm.s32 $0x0;
	s1 =	ssub.s32 $0x1000, s2  }
0x7: {  	s8 =	simm.s32 $0x8000;
	s13 =	simm.s32 $0x0;
	s3 =	sand.u32 $0xF80, s1  }
0x8: {  	s9 =	simm.s32 $0x0;
	s5 =	sshrl.u32 s1, $0xC;
	p0 =	sne.s32 s3, $0x0  }
.Ltmp0:
0x9: {  	s1 =	rddreg [dreg:$0x2];
	s4 =	simm.s32 @!p0 $0x0;
	(pc) =	sbr.rel .LBB1_1-.Ltmp0, $4  }
0xa: {  	s11 =	simm.s32 $0x0;
	s3 =	rddreg [dreg:$0x1];
	s5 =	sadd.s32 s4, s5  }
0xb: {  	_ =	strace $0x8000004A;
	s4 =	simm.s32 $0x1;
	s5 =	smul.u32 $0xC8, s5  }
0xc: {  	s6 =	sadd.s32 $0xA00, s6;
	s10 =	smov.u32 s2;
	[sflag:s4] =	ssyncpa.u1 $0x0  }
0xd: {  	p0 =	por $0x0, $0x0;
	[sflag:s7] =	ssyncpa.u1 $0x0;
	s7 =	sor.u32 $0x1, s5  }
.LBB1_4:
0xe: {  	s16 =	sshll.u32 s13, $0x3;
	s17 =	sand.u32 $0x78, s13  }
0xf: {  	s30 =	sand.u32 $0x7E00, s13;
	s12 =	sshll.u32 s12, $0xF;
	s16 =	sand.u32 $0xC00, s16  }
0x10: {  	[tilespmem:s15+$0x810 ss:$0x81] =	vst.msk $0xffff, v2;
	s31 =	sand.u32 $0x7, s13;
	s16 =	sor.u32 s17, s16;
	s17 =	sadd.s32 s3, s30  }
0x11: {  	[tilespmem:s15+$0x1020 ss:$0x81] =	vst.msk $0xffff, v0;
	s13 =	sshll.u32 s31, $0x12;
	s12 =	sadd.s32 s12, s17;
	s16 =	sshrl.u32 s16, $0x3  }
0x12: {  	[tilespmem:s15+$0x0 ss:$0x81] =	vst.msk $0xffff, v1;
	s13 =	sor.u32 $0x400, s13;
	s12 =	sadd.s32 s16, s12  }
0x13: {  	[hbm4b:s12+s13] =	stream.strided.scatter [tilespmem:s14], [sflag:$0x2], $0x2000, s8, s13, $0x20;
	[tilespmem:$0x8080] =	vst v63  }
.LBB1_5:
0x14: {  	s14 =	sadd.s32 $0x1, s9  }
0x15: {  	s12 =	sadd.s32 $0x1000, s10;
	s16 =	smov.u32 s10;
	p2 =	sgt.s32 s14, $0xC7  }
0x16: {  	s16 =	smov.u32 @p2 s12  }
0x17: {  	s14 =	simm.s32 @p2 $0x0;
	p2 =	sgt.s32 s16, $0xFFF  }
0x18: {  	s16 =	smov.u32 @p2 s2;
	p2 =	sne.s32 s11, s7  }
.Ltmp1:
0x19: {  	p1 =	slt.u32 s11, $0x2;
	(pc) =	sbr.rel @!p2 .LBB1_6-.Ltmp1, $4  }
0x1a: {  	s15 =	simm.s32 @!p1 $0x2  }
0x1b: {  	s13 =	smov.u32 s10;
	p0 =	por !p0, !p0;
	_ =	swait.ge @!p1 [sflag:s15], $0x2000  }
0x1c: {  	s12 =	smov.u32 s9;
	[sflag:s15] =	ssyncset.done @!p1 $0x0;
	s9 =	smov.u32 s14  }
0x1d: {  	s11 =	sadd.s32 $0x1, s11;
	[sflag:s15] =	ssyncadd.s32 @!p1 $0xFFFFE000;
	s10 =	smov.u32 s16  }
.LBB1_1:
0x1e: {  	p1 =	sge.u32 s11, s5  }
0x1f: {  	s14 =	sand.u32 @!p1 $0x1FFFFFF, s9  }
0x20: {  	s15 =	smulhi.u32 @!p1 $0x147AE15, s14;
	_ =	sdelay $0x1  }
0x21: {  	s15 =	smul.u32 @!p1 $0xC8, s15  }
0x22: {  	s16 =	sxor.u32 @!p1 $0xFFFFFFFF, s11;
	s17 =	smul.u32 @!p1 $0xC80, s10  }
0x23: {  	s31 =	sadd.s32 $0xFFFFFFFF, s11;
	s16 =	sshll.u32 @!p1 s16, $0xD;
	s14 =	ssub.s32 @!p1 s14, s15  }
0x24: {  	s15 =	sand.u32 @!p1 $0x2000, s16;
	s16 =	sadd.s32 @!p1 s6, s17;
	s14 =	sshll.u32 @!p1 s14, $0x4  }
0x25: {  	s17 =	simm.s32 @!p1 $0x6400;
	s14 =	sadd.s32 @!p1 s14, s16;
	s16 =	simm.s32 @!p1 $0x40  }
0x26: {  	[tilespmem:s15], [sflag:$0x1] =	stream.strided.gather @!p1 [hbm4b:s14+s16], $0x2000, s17, s16, $0x38;
	[tilespmem:$0x8080] =	vst v63  }
0x27: {  	p1 =	sge.u32 s31, s5  }
.Ltmp2:
0x28: {  	_ = 	snop;
	(pc) =	sbr.rel @p1 .LBB1_5-.Ltmp2, $1  }
0x29: {  	_ =	sdelay $0x3  }
0x2a: {  	s14 =	simm.s32 $0x1  }
0x2b: {  	_ =	swait.ge [sflag:s4], $0x2000;
	s14 =	simm.s32 @!p0 $0x0  }
0x2c: {  	[sflag:s4] =	ssyncset.done $0x0;
	s15 =	sshll.u32 s14, $0xD  }
0x2d: {  	[sflag:s4] =	ssyncadd.s32 $0xFFFFE000;
	s18 =	sor.u32 $0x20, s15  }
0x2e: {  	s14 =	smul.u32 $0x8100, s14;
	v3 =	vld [tilespmem:s18+$0x10]  }
0x2f: {  	s30 =	sand.u32 $0x1, s11;
	v2 =	vld [tilespmem:s18+$0xFFFFFFF0]  }
0x30: {  	s15 =	smul.u32 $0x8100, s30;
	s14 =	sshrl.u32 s14, $0x2;
	v0 =	vld [tilespmem:s18+$0x0]  }
0x31: {  	v1 =	vld [tilespmem:s18+$0xFFFFFFE0];
	s16 =	sor.u32 $0x4000, s14  }
0x32: {  	s31 =	sshrl.u32 s15, $0x2;
	s15 =	sadd.s32 $0x0, s16  }
0x33: {  	s17 =	simm.s32 $0x4;
	s18 =	sadd.s32 $0x40, s18;
	s14 =	sor.u32 $0x4000, s31;
	[tilespmem:s15+$0x1830 ss:$0x81] =	vst.msk $0xffff, v3  }
.LBB1_3:
0x34: {  	v3 =	vld [tilespmem:s18+$0x10];
	p1 =	sne.s32 s17, $0x1FC;
	[tilespmem:s15+$0x810 ss:$0x81] =	vst.msk $0xffff, v2;
	s19 =	smov.u32 s17;
	s17 =	sadd.s32 $0x4, s17  }
.Ltmp3:
0x35: {  	v2 =	vld [tilespmem:s18+$0xFFFFFFF0];
	[tilespmem:s15+$0x1020 ss:$0x81] =	vst.msk $0xffff, v0;
	(pc) =	sbr.rel @p1 .LBB1_3-.Ltmp3, $4  }
0x36: {  	v0 =	vld [tilespmem:s18+$0x0];
	[tilespmem:s15+$0x0 ss:$0x81] =	vst.msk $0xffff, v1  }
0x37: {  	s15 =	sshra.s32 s19, $0x2;
	v1 =	vld [tilespmem:s18+$0xFFFFFFE0]  }
0x38: {  	s15 =	sadd.s32 s15, s16  }
0x39: {  	s18 =	sadd.s32 $0x40, s18;
	[tilespmem:s15+$0x1830 ss:$0x81] =	vst.msk $0xffff, v3  }
.Ltmp4:
0x3a: {  	_ = 	snop;
	(pc) =	sbr.rel .LBB1_4-.Ltmp4, $1  }
0x3b: {  	_ =	sdelay $0x3  }
.LBB1_6:
0x3c: {  	_ =	sfence.sel $0x180000  }
0x3d: {  	s2 =	simm.s32 $0x1;
	[bflag:$0x0] =	sbarrier.arrive $0xFFFF  }
0x3e: {  	s31 =	simm.s32 $0x2;
	[sflag:s2] =	ssyncpa.u1 $0x1  }
0x3f: {  	[sflag:s31] =	ssyncpa.u1 $0x1  }
0x40: {  	p0 =	sne.s32 s0, $0x0;
	_ =	strace $0x9000004A  }
0x41: {  	s0 =	sadd.s32 @!p0 $0x100000, s1;
	[bflag:$0x2] =	sbarrier.arrive $0xFFFF  }
0x42: {  	[sflag:s0] =	ssyncadd.tile.s32 @!p0 $0x1;
	_ =	shalt  }
.Lfunc_end1:
_tile_overlayer_lowered:
.L_overlay_start_2:
0x43: {  	(tag) =	ssettag $0x2  }
0x44: {  	s0 =	rddreg [dreg:$0x0];
	s2 =	stileid.u32  }
0x45: {  	s1 =	rddreg [dreg:$0x1];
	p0 =	sne.s32 s2, $0x0  }
0x46: {  	s3 =	rddreg [dreg:$0x2];
	[bflag:$0x3] =	sbarrier.arrive $0xFFFF;
	s2 =	simm.s32 @!p0 $0x1C01  }
0x47: {  	[timem:s3], [sflag:s2] =	dma.local @!p0 [hbm:s0], s1  }
0x48: {  	s0 =	simm.s32 @!p0 $0x1  }
0x49: {  	_ =	swait.ge @!p0 [sflag:s0], s1  }
0x4a: {  	s1 =	ssub.s32 @!p0 $0x0, s1;
	[sflag:s0] =	ssyncset.done @!p0 $0x0  }
0x4b: {  	[sflag:s0] =	ssyncadd.s32 @!p0 s1  }
0x4c: {  	[bflag:$0x3] =	sbarrier.arrive $0xFFFF  }
0x4d: {  	_ =	shalt  }

</sc_bundles>
